<compile_context>
chip_gen: v7x
topology: tpu7x:2x2x1
jax: 0.10.2.dev20260603
libtpu: 0.0.44.dev20260713+nightly
codegen_flags: <defaults>
</compile_context>

<pallas_src>
import functools

import jax
import jax.numpy as jnp
from jax import lax
from jax.experimental import pallas as pl
from jax.experimental.pallas import tpu as pltpu
from jax.experimental.pallas import tpu_sc as plsc

N = 10000
E = 320000
HD = 128
N1 = N // 2
N2 = (3 * N) // 4
NSEG = N2 - N1
SEGP = 2560
NC = 2
NS = 16
NW = NC * NS
K = 128
EF = E // 2
CH = (EF + NW * K - 1) // (NW * K)
EP = NW * CH * K
SRCBITS = 13
SRCMASK = (1 << SRCBITS) - 1
RPT = SEGP // NS
NBUF = 2
TP1 = 5120


def _sc_segsum(table, enc, tp):
    mesh = plsc.VectorSubcoreMesh(core_axis_name="c", subcore_axis_name="s")

    @functools.partial(
        pl.kernel,
        out_type=jax.ShapeDtypeStruct((NC, SEGP, HD), jnp.float32),
        mesh=mesh,
        scratch_types=[
            pltpu.VMEM((CH, K), jnp.int32),
            pltpu.VMEM((CH, K), jnp.int32),
            pltpu.VMEM((CH, K), jnp.int32),
            [pltpu.VMEM((K, HD), jnp.float32)] * NBUF,
            pltpu.VMEM((RPT, HD), jnp.float32),
            pltpu.VMEM_SHARED((tp, HD), jnp.float32),
            pltpu.VMEM_SHARED((SEGP, HD), jnp.float32),
            [pltpu.SemaphoreType.DMA] * NBUF,
            [pltpu.SemaphoreType.DMA] * NBUF,
        ],
    )
    def k(table_hbm, enc_hbm, out_hbm, enc_v, src_v, dst_v, rows,
          stage_v, tab, acc, gsem, ssem):
        c = lax.axis_index("c")
        s = lax.axis_index("s")
        wid = c * NS + s
        tpt = tp // NS

        pltpu.sync_copy(table_hbm.at[pl.ds(s * tpt, tpt)],
                        tab.at[pl.ds(s * tpt, tpt)])
        pltpu.sync_copy(enc_hbm.at[wid], enc_v)

        def zrow(i, _):
            def zcol(j, _):
                stage_v[i, pl.ds(j * 16, 16)] = jnp.zeros((16,), jnp.float32)
                return 0
            return lax.fori_loop(0, HD // 16, zcol, 0)
        lax.fori_loop(0, RPT, zrow, 0)
        pltpu.sync_copy(stage_v, acc.at[pl.ds(s * RPT, RPT)])

        def drow(j, _):
            def dcol(t, _):
                v = enc_v[j, pl.ds(t * 16, 16)]
                src_v[j, pl.ds(t * 16, 16)] = lax.bitwise_and(v, SRCMASK)
                dst_v[j, pl.ds(t * 16, 16)] = lax.shift_right_logical(v, SRCBITS)
                return 0
            return lax.fori_loop(0, K // 16, dcol, 0)
        lax.fori_loop(0, CH, drow, 0)
        plsc.subcore_barrier()

        def gstart(j, b):
            pltpu.async_copy(tab.at[src_v.at[j]], rows[b], gsem[b])

        def gwait(b):
            pltpu.make_async_copy(tab.at[src_v.at[0]], rows[b],
                                  gsem[b]).wait()

        def sstart(j, b):
            pltpu.async_copy(rows[b], acc.at[dst_v.at[j]], ssem[b], add=True)

        def swait(b):
            pltpu.make_async_copy(rows[b], acc.at[dst_v.at[0]],
                                  ssem[b]).wait()

        for b in range(NBUF):
            gstart(b, b)

        def body(i, _):
            j0 = i * NBUF
            for b in range(NBUF):
                gwait(b)
                sstart(j0 + b, b)
            for b in range(NBUF):
                jn = j0 + b + NBUF

                @pl.when(jn < CH)
                def _():
                    swait(b)
                    gstart(jn, b)
            return 0
        lax.fori_loop(0, CH // NBUF, body, 0)
        for b in range(NBUF):
            swait(b)

        plsc.subcore_barrier()
        pltpu.sync_copy(acc.at[pl.ds(s * RPT, RPT)], stage_v)
        pltpu.sync_copy(stage_v, out_hbm.at[c, pl.ds(s * RPT, RPT)])

    return k(table, enc)


def _mm(a, b):
    return jax.lax.dot_general(a, b, (((1,), (0,)), ((), ())),
                               preferred_element_type=jnp.float32)


def _res(x, w1, b1, w2, b2, w3, b3):
    h1 = jnp.tanh(_mm(x, w1) + b1)
    h2 = jnp.tanh(_mm(h1, w2) + b2)
    return _mm(h2 + x, w3) + b3


def _embed_kernel(x_ref, w_ref, b_ref, o_ref):
    o_ref[...] = jnp.tanh(_mm(x_ref[...], w_ref[...]) + b_ref[...])


def _tc_embed(x, w, b):
    return pl.pallas_call(
        _embed_kernel,
        out_shape=jax.ShapeDtypeStruct((N, HD), jnp.float32),
    )(x, w, b.reshape(1, HD))


def _front_kernel(m0, m1, e_ref, *refs):
    o_ref = refs[-1]
    w = [r[...] for r in refs[:-1]]
    (mpW1, mpB1, mpW2, mpB2, mpW3, mpB3,
     mp1W1, mp1B1, mp1W2, mp1B2, mp1W3, mp1B3,
     cW1a, cB1, cW2, cB2, cW3, cB3,
     c1W1, c1B1, c1W2, c1B2, c1W3, c1B3,
     nW1, nB1, nW2, nB2, nW3, nB3,
     n1W1, n1B1, n1W2, n1B2, n1W3, n1B3) = w

    msgs = m0[...] + m1[...]
    redux = jnp.tanh(_res(msgs, mpW1, mpB1, mpW2, mpB2, mpW3, mpB3))
    redux = jnp.tanh(_res(redux, mp1W1, mp1B1, mp1W2, mp1B2, mp1W3, mp1B3))

    e0 = e_ref[...]
    h1 = jnp.tanh(_mm(e0, cW1a) + cB1)
    h2 = jnp.tanh(_mm(h1, cW2) + cB2)
    ec = _mm(h2, cW3) + _mm(e0, cW3[0:HD, :]) + cB3
    e1 = jnp.tanh(ec)
    e1 = jnp.tanh(_res(e1, c1W1, c1B1, c1W2, c1B2, c1W3, c1B3))

    xc = jnp.concatenate([e1, redux], axis=-1)
    e2 = jnp.tanh(_res(xc, nW1, nB1, nW2, nB2, nW3, nB3))
    e2 = jnp.tanh(_res(e2, n1W1, n1B1, n1W2, n1B2, n1W3, n1B3))
    o_ref[...] = e2


def _tc_front(msgs2, e_pad, mp, mp1, comb, comb1, node, node1):
    def flat(p):
        (w1, b1), (w2, b2), (w3, b3) = p["l1"], p["l2"], p["l3"]
        return [w1, b1.reshape(1, -1), w2, b2.reshape(1, -1),
                w3, b3.reshape(1, -1)]
    cw = flat(comb)
    cw[0] = cw[0][0:HD, :]
    weights = flat(mp) + flat(mp1) + cw + flat(comb1) + flat(node) + flat(node1)
    return pl.pallas_call(
        _front_kernel,
        out_shape=jax.ShapeDtypeStruct((SEGP, HD), jnp.float32),
    )(msgs2[0], msgs2[1], e_pad, *weights)


def kernel(x, edge_index, params):
    half = E // 2
    src1 = (edge_index[0, :half] % N1).astype(jnp.int32)
    dst1 = (edge_index[1, :half] % NSEG).astype(jnp.int32)
    src2 = (edge_index[0, half:] % NSEG).astype(jnp.int32)
    dst2 = (edge_index[1, half:] % NSEG).astype(jnp.int32)

    pad_dst = (NSEG + jnp.arange(EP - EF, dtype=jnp.int32) % (SEGP - NSEG))

    def prep(src, dst):
        enc = jnp.concatenate([src, jnp.zeros((EP - EF,), jnp.int32)]) | (
            jnp.concatenate([dst, pad_dst]) << SRCBITS)
        return enc.reshape(NW, CH, K)

    enc1 = prep(src1, dst1)
    enc2 = prep(src2, dst2)

    we, be = params["embed"]
    embed_all = _tc_embed(x, we, be)

    e1 = jnp.pad(embed_all[N1:N2], ((0, SEGP - NSEG), (0, 0)))
    e2 = jnp.pad(embed_all[N2:], ((0, SEGP - (N - N2)), (0, 0)))

    p = params
    msgs1 = _sc_segsum(embed_all, enc1, TP1)
    out1 = _tc_front(msgs1, e1, p["d2_mp"], p["d2_mp1"], p["d2_comb"],
                     p["d2_comb1"], p["d2_node"], p["d2_node1"])
    msgs2 = _sc_segsum(out1, enc2, SEGP)
    out2 = _tc_front(msgs2, e2, p["d3_mp"], p["d3_mp1"], p["d3_comb"],
                     p["d3_comb1"], p["d3_node"], p["d3_node1"])

    return jnp.concatenate(
        [embed_all[:N1], out1[:NSEG], out2[:NSEG]], axis=0)

# --- scband reference (transcript-rebuilt; emitter-appended) ---
"""Pipeline reference for scband-bwd-mpgnn-64793876627815 (READ-ONLY COPY).

The authoritative reference and input builder live on the scoring server;
editing this copy changes nothing except your own understanding.
"""

import jax, jax.numpy as jnp
import numpy as np

N = 10000
E = 320000
FEAT = 128
H = 128
N1 = N // 2
N2 = (3 * N) // 4


def _lin(key, din, dout):
    return (jax.random.normal(key, (din, dout), dtype=jnp.float32) * 0.05,
            jnp.zeros((dout,), dtype=jnp.float32))


def _resnet(key, din, dout):
    k1, k2, k3 = jax.random.split(key, 3)
    return {"l1": _lin(k1, din, din), "l2": _lin(k2, din, din), "l3": _lin(k3, din, dout)}


def _resnet_apply(p, x):
    W1, b1 = p["l1"]; W2, b2 = p["l2"]; W3, b3 = p["l3"]
    h1 = jnp.tanh(x @ W1 + b1)
    h2 = jnp.tanh(h1 @ W2 + b2)
    return (h2 + x) @ W3 + b3


def setup_inputs(seed: int = 0):
    key = jax.random.key(seed)
    ks = jax.random.split(key, 16)
    x = jax.random.normal(ks[0], (N, FEAT), dtype=jnp.float32)
    edge_index = jax.random.randint(ks[1], (2, E), 0, N, dtype=jnp.int32)
    params = {
        "embed": _lin(ks[2], FEAT, H),
        "d2_mp": _resnet(ks[3], H, H), "d2_mp1": _resnet(ks[4], H, H),
        "d3_mp": _resnet(ks[5], H, H), "d3_mp1": _resnet(ks[6], H, H),
        "d2_comb": _resnet(ks[7], 2 * H, H), "d2_comb1": _resnet(ks[8], H, H),
        "d3_comb": _resnet(ks[9], 2 * H, H), "d3_comb1": _resnet(ks[10], H, H),
        "d2_node": _resnet(ks[11], 2 * H, H), "d2_node1": _resnet(ks[12], H, H),
        "d3_node": _resnet(ks[13], 2 * H, H), "d3_node1": _resnet(ks[14], H, H),
    }
    return {"x": x, "edge_index": edge_index, "params": params}


def _forward(x, edge_index, params):
    # Build a layered DAG (3 topological fronts) from the raw edge list, matching
    # dgl.topological_nodes_generator + prop_nodes semantics:
    #   front0: nodes [0, N1)   depth 0 (roots: apply_func sees no bwd keys)
    #   front1: nodes [N1, N2)  depth 1 -> d2_* networks
    #   front2: nodes [N2, N)   depth 2 -> d3_* networks
    half = E // 2
    src1 = edge_index[0, :half] % N1
    dst1 = N1 + edge_index[1, :half] % (N2 - N1)
    src2 = N1 + edge_index[0, half:] % (N2 - N1)
    dst2 = N2 + edge_index[1, half:] % (N - N2)

    We, be = params["embed"]
    embed_all = jnp.tanh(x @ We + be)

    bwd = jnp.zeros((N, H), dtype=x.dtype)
    # front 0: apply_func only (no mailbox, 'bwd_node_embeds' key not yet present)
    bwd = bwd.at[:N1].set(embed_all[:N1])

    def front(bwd, src, dst, d0, n_seg, mp, mp1, comb, comb1, node, node1):
        # msg_func: gather src embeddings; redux_func: sum mailbox + depth-MLP
        msgs = jax.ops.segment_sum(bwd[src], dst - d0, num_segments=n_seg)
        redux = jnp.tanh(_resnet_apply(mp, msgs))
        redux = jnp.tanh(_resnet_apply(mp1, redux))
        # apply_func: embed node feats, combine with current (zero) bwd embeds,
        # then combine with reduced messages
        e = embed_all[d0:d0 + n_seg]
        e = jnp.tanh(_resnet_apply(comb, jnp.concatenate([e, bwd[d0:d0 + n_seg]], axis=-1)))
        e = jnp.tanh(_resnet_apply(comb1, e))
        e = jnp.tanh(_resnet_apply(node, jnp.concatenate([e, redux], axis=-1)))
        e = jnp.tanh(_resnet_apply(node1, e))
        return bwd.at[d0:d0 + n_seg].set(e)

    p = params
    bwd = front(bwd, src1, dst1, N1, N2 - N1, p["d2_mp"], p["d2_mp1"], p["d2_comb"], p["d2_comb1"], p["d2_node"], p["d2_node1"])
    bwd = front(bwd, src2, dst2, N2, N - N2, p["d3_mp"], p["d3_mp1"], p["d3_comb"], p["d3_comb1"], p["d3_node"], p["d3_node1"])
    return bwd


def reference(x, edge_index, params):
    return _forward(x, edge_index, params)

if __name__ == "__main__":
    import jax
    _d = setup_inputs()
    print(jax.jit(kernel)(*tuple(_d.values())))

</pallas_src>

<mosaic_0001>
#map = affine_map<(d0, d1) -> (0, 0)>
#map1 = affine_map<(d0, d1) -> (0, 0, 0)>
module attributes {stable_mosaic.version = 14 : i64} {
  func.func @k(%arg0: i32, %arg1: i32, %arg2: memref<10000x128xf32, #tpu.memory_space<hbm>>, %arg3: memref<32x40x128xi32, #tpu.memory_space<hbm>>, %arg4: memref<2x2560x128xf32, #tpu.memory_space<hbm>>, %arg5: memref<40x128xi32, #tpu.memory_space<vmem>>, %arg6: memref<40x128xi32, #tpu.memory_space<vmem>>, %arg7: memref<40x128xi32, #tpu.memory_space<vmem>>, %arg8: memref<128x128xf32, #tpu.memory_space<vmem>>, %arg9: memref<128x128xf32, #tpu.memory_space<vmem>>, %arg10: memref<160x128xf32, #tpu.memory_space<vmem>>, %arg11: memref<5120x128xf32, #tpu.memory_space<vmem_shared>>, %arg12: memref<2560x128xf32, #tpu.memory_space<vmem_shared>>, %arg13: memref<!tpu.dma_semaphore, #tpu.memory_space<semaphore_mem>>, %arg14: memref<!tpu.dma_semaphore, #tpu.memory_space<semaphore_mem>>, %arg15: memref<!tpu.dma_semaphore, #tpu.memory_space<semaphore_mem>>, %arg16: memref<!tpu.dma_semaphore, #tpu.memory_space<semaphore_mem>>) attributes {dimension_semantics = [#tpu.dimension_semantics<core_parallel>, #tpu.dimension_semantics<subcore_parallel>], iteration_bounds = array<i64: 2, 16>, scalar_prefetch = 0 : i64, scratch_operands = 12 : i64, tpu.core_type = #tpu.core_type<sc_vector_subcore>, window_params = [{transform_indices = #map}, {transform_indices = #map1}, {transform_indices = #map1}]} {
    %mul3A = arith.constant 16 : i32
    %mul3A_0 = arith.muli %arg0, %mul3A : i32
    %add3A = arith.addi %mul3A_0, %arg1 : i32
    %mul3A_1 = arith.constant 320 : i32
    %mul3A_2 = arith.muli %arg1, %mul3A_1 : i32
    %mul3A_3 = arith.constant 320 : i32
    %mul3A_4 = arith.muli %arg1, %mul3A_3 : i32
    "tpu.region"() ({
      %run_scoped3A = tpu.sem_alloc : memref<!tpu.dma_semaphore, #tpu.memory_space<semaphore_mem>>
      %dma_start3A_58 = arith.constant 0 : i32
      %dma_start3A_59 = tpu.memref_slice %arg11[%mul3A_4, %dma_start3A_58] : memref<5120x128xf32, #tpu.memory_space<vmem_shared>> -> memref<320x128xf32, #tpu.memory_space<vmem_shared>>
      %dma_start3A_60 = arith.constant 0 : i32
      %dma_start3A_61 = tpu.memref_slice %arg2[%mul3A_2, %dma_start3A_60] : memref<10000x128xf32, #tpu.memory_space<hbm>> -> memref<320x128xf32, #tpu.memory_space<hbm>>
      tpu.enqueue_dma source(%dma_start3A_61 : memref<320x128xf32, #tpu.memory_space<hbm>>) target(%dma_start3A_59 : memref<320x128xf32, #tpu.memory_space<vmem_shared>>) target_semaphore(%run_scoped3A : memref<!tpu.dma_semaphore, #tpu.memory_space<semaphore_mem>>)
      %dma_wait3A_62 = arith.constant 0 : i32
      %dma_wait3A_63 = tpu.memref_slice %arg11[%mul3A_4, %dma_wait3A_62] : memref<5120x128xf32, #tpu.memory_space<vmem_shared>> -> memref<320x128xf32, #tpu.memory_space<vmem_shared>>
      %dma_wait3A_64 = arith.constant 0 : i32
      %dma_wait3A_65 = tpu.memref_slice %arg2[%mul3A_2, %dma_wait3A_64] : memref<10000x128xf32, #tpu.memory_space<hbm>> -> memref<320x128xf32, #tpu.memory_space<hbm>>
      tpu.wait_dma2 semaphore(%run_scoped3A : memref<!tpu.dma_semaphore, #tpu.memory_space<semaphore_mem>>) src(%dma_wait3A_65 : memref<320x128xf32, #tpu.memory_space<hbm>>) dst(%dma_wait3A_63 : memref<320x128xf32, #tpu.memory_space<vmem_shared>>)
      tpu.yield
    }) : () -> ()
    "tpu.region"() ({
      %run_scoped3A = tpu.sem_alloc : memref<!tpu.dma_semaphore, #tpu.memory_space<semaphore_mem>>
      %dma_start3A_58 = arith.constant 0 : i32
      %dma_start3A_59 = arith.constant 0 : i32
      %dma_start3A_60 = tpu.memref_slice %arg3[%add3A, %dma_start3A_58, %dma_start3A_59] : memref<32x40x128xi32, #tpu.memory_space<hbm>> -> memref<1x40x128xi32, #tpu.memory_space<hbm>>
      %dma_start3A_61 = tpu.memref_squeeze %dma_start3A_60 : memref<1x40x128xi32, #tpu.memory_space<hbm>> -> memref<40x128xi32, #tpu.memory_space<hbm>>
      %dma_start3A_62 = arith.constant 0 : i32
      %dma_start3A_63 = arith.constant 0 : i32
      %dma_start3A_64 = tpu.memref_slice %arg3[%add3A, %dma_start3A_62, %dma_start3A_63] : memref<32x40x128xi32, #tpu.memory_space<hbm>> -> memref<1x40x128xi32, #tpu.memory_space<hbm>>
      %dma_start3A_65 = tpu.memref_squeeze %dma_start3A_64 : memref<1x40x128xi32, #tpu.memory_space<hbm>> -> memref<40x128xi32, #tpu.memory_space<hbm>>
      tpu.enqueue_dma source(%dma_start3A_65 : memref<40x128xi32, #tpu.memory_space<hbm>>) target(%arg5 : memref<40x128xi32, #tpu.memory_space<vmem>>) target_semaphore(%run_scoped3A : memref<!tpu.dma_semaphore, #tpu.memory_space<semaphore_mem>>)
      %dma_wait3A_66 = arith.constant 0 : i32
      %dma_wait3A_67 = arith.constant 0 : i32
      %dma_wait3A_68 = tpu.memref_slice %arg3[%add3A, %dma_wait3A_66, %dma_wait3A_67] : memref<32x40x128xi32, #tpu.memory_space<hbm>> -> memref<1x40x128xi32, #tpu.memory_space<hbm>>
      %dma_wait3A_69 = tpu.memref_squeeze %dma_wait3A_68 : memref<1x40x128xi32, #tpu.memory_space<hbm>> -> memref<40x128xi32, #tpu.memory_space<hbm>>
      %dma_wait3A_70 = arith.constant 0 : i32
      %dma_wait3A_71 = arith.constant 0 : i32
      %dma_wait3A_72 = tpu.memref_slice %arg3[%add3A, %dma_wait3A_70, %dma_wait3A_71] : memref<32x40x128xi32, #tpu.memory_space<hbm>> -> memref<1x40x128xi32, #tpu.memory_space<hbm>>
      %dma_wait3A_73 = tpu.memref_squeeze %dma_wait3A_72 : memref<1x40x128xi32, #tpu.memory_space<hbm>> -> memref<40x128xi32, #tpu.memory_space<hbm>>
      tpu.wait_dma2 semaphore(%run_scoped3A : memref<!tpu.dma_semaphore, #tpu.memory_space<semaphore_mem>>) src(%dma_wait3A_73 : memref<40x128xi32, #tpu.memory_space<hbm>>) dst(%arg5 : memref<40x128xi32, #tpu.memory_space<vmem>>)
      tpu.yield
    }) : () -> ()
    %scan3A = arith.constant 0 : i32
    %scan3A_5 = arith.constant 0 : i32
    %scan3A_6 = arith.constant 160 : i32
    %scan3A_7 = arith.addi %scan3A_5, %scan3A_6 : i32
    %scan3A_8 = arith.constant 1 : i32
    %scan3A_9 = scf.for %scan3A_58 = %scan3A_5 to %scan3A_7 step %scan3A_8 iter_args(%scan3A_59 = %scan3A) -> (i32)  : i32 {
      %scan3A_60 = arith.constant 0 : i32
      %scan3A_61 = arith.constant 0 : i32
      %scan3A_62 = arith.constant 8 : i32
      %scan3A_63 = arith.addi %scan3A_61, %scan3A_62 : i32
      %scan3A_64 = arith.constant 1 : i32
      %scan3A_65 = scf.for %scan3A_67 = %scan3A_61 to %scan3A_63 step %scan3A_64 iter_args(%scan3A_68 = %scan3A_60) -> (i32)  : i32 {
        %broadcast_in_dim3A = arith.constant 0.000000e+00 : f32
        %broadcast_in_dim3A_69 = vector.broadcast %broadcast_in_dim3A : f32 to vector<16xf32>
        %mul3A_70 = arith.constant 16 : i32
        %mul3A_71 = arith.muli %scan3A_67, %mul3A_70 : i32
        %swap3A = arith.index_cast %scan3A_58 : i32 to index
        %swap3A_72 = arith.index_cast %mul3A_71 : i32 to index
        %swap3A_73 = tpu.vector_load %arg10[%swap3A, %swap3A_72] {strides = array<i32>} : memref<160x128xf32, #tpu.memory_space<vmem>>, vector<1x16xf32>,
        %swap3A_74 = vector.shape_cast %swap3A_73 : vector<1x16xf32> to vector<16xf32>
        %swap3A_75 = vector.shape_cast %broadcast_in_dim3A_69 : vector<16xf32> to vector<1x16xf32>
        tpu.vector_store %arg10[%swap3A, %swap3A_72], %swap3A_75 {strides = array<i32>} : memref<160x128xf32, #tpu.memory_space<vmem>>, vector<1x16xf32>,
        %scan3A_76 = arith.constant 0 : i32
        scf.yield %scan3A_76 : i32
      }
      %scan3A_66 = arith.constant 8 : i32
      scf.yield %scan3A_65 : i32
    }
    %scan3A_10 = arith.constant 160 : i32
    %mul3A_11 = arith.constant 160 : i32
    %mul3A_12 = arith.muli %arg1, %mul3A_11 : i32
    "tpu.region"() ({
      %run_scoped3A = tpu.sem_alloc : memref<!tpu.dma_semaphore, #tpu.memory_space<semaphore_mem>>
      %dma_start3A_58 = arith.constant 0 : i32
      %dma_start3A_59 = tpu.memref_slice %arg12[%mul3A_12, %dma_start3A_58] : memref<2560x128xf32, #tpu.memory_space<vmem_shared>> -> memref<160x128xf32, #tpu.memory_space<vmem_shared>>
      %dma_start3A_60 = arith.constant 0 : i32
      %dma_start3A_61 = tpu.memref_slice %arg12[%mul3A_12, %dma_start3A_60] : memref<2560x128xf32, #tpu.memory_space<vmem_shared>> -> memref<160x128xf32, #tpu.memory_space<vmem_shared>>
      tpu.enqueue_dma source(%arg10 : memref<160x128xf32, #tpu.memory_space<vmem>>) target(%dma_start3A_61 : memref<160x128xf32, #tpu.memory_space<vmem_shared>>) target_semaphore(%run_scoped3A : memref<!tpu.dma_semaphore, #tpu.memory_space<semaphore_mem>>)
      %dma_wait3A_62 = arith.constant 0 : i32
      %dma_wait3A_63 = tpu.memref_slice %arg12[%mul3A_12, %dma_wait3A_62] : memref<2560x128xf32, #tpu.memory_space<vmem_shared>> -> memref<160x128xf32, #tpu.memory_space<vmem_shared>>
      %dma_wait3A_64 = arith.constant 0 : i32
      %dma_wait3A_65 = tpu.memref_slice %arg12[%mul3A_12, %dma_wait3A_64] : memref<2560x128xf32, #tpu.memory_space<vmem_shared>> -> memref<160x128xf32, #tpu.memory_space<vmem_shared>>
      tpu.wait_dma2 semaphore(%run_scoped3A : memref<!tpu.dma_semaphore, #tpu.memory_space<semaphore_mem>>) src(%arg10 : memref<160x128xf32, #tpu.memory_space<vmem>>) dst(%dma_wait3A_65 : memref<160x128xf32, #tpu.memory_space<vmem_shared>>)
      tpu.yield
    }) : () -> ()
    %scan3A_13 = arith.constant 0 : i32
    %scan3A_14 = arith.constant 0 : i32
    %scan3A_15 = arith.constant 40 : i32
    %scan3A_16 = arith.addi %scan3A_14, %scan3A_15 : i32
    %scan3A_17 = arith.constant 1 : i32
    %scan3A_18 = scf.for %scan3A_58 = %scan3A_14 to %scan3A_16 step %scan3A_17 iter_args(%scan3A_59 = %scan3A_13) -> (i32)  : i32 {
      %scan3A_60 = arith.constant 0 : i32
      %scan3A_61 = arith.constant 0 : i32
      %scan3A_62 = arith.constant 8 : i32
      %scan3A_63 = arith.addi %scan3A_61, %scan3A_62 : i32
      %scan3A_64 = arith.constant 1 : i32
      %scan3A_65 = scf.for %scan3A_67 = %scan3A_61 to %scan3A_63 step %scan3A_64 iter_args(%scan3A_68 = %scan3A_60) -> (i32)  : i32 {
        %mul3A_69 = arith.constant 16 : i32
        %mul3A_70 = arith.muli %scan3A_67, %mul3A_69 : i32
        %get3A = arith.index_cast %scan3A_58 : i32 to index
        %get3A_71 = arith.index_cast %mul3A_70 : i32 to index
        %get3A_72 = tpu.vector_load %arg5[%get3A, %get3A_71] {strides = array<i32>} : memref<40x128xi32, #tpu.memory_space<vmem>>, vector<1x16xi32>,
        %get3A_73 = vector.shape_cast %get3A_72 : vector<1x16xi32> to vector<16xi32>
        %and3A = arith.constant 8191 : i32
        %and3A_74 = vector.broadcast %and3A : i32 to vector<16xi32>
        %and3A_75 = arith.andi %get3A_73, %and3A_74 : vector<16xi32>
        %mul3A_76 = arith.constant 16 : i32
        %mul3A_77 = arith.muli %scan3A_67, %mul3A_76 : i32
        %swap3A = arith.index_cast %scan3A_58 : i32 to index
        %swap3A_78 = arith.index_cast %mul3A_77 : i32 to index
        %swap3A_79 = tpu.vector_load %arg6[%swap3A, %swap3A_78] {strides = array<i32>} : memref<40x128xi32, #tpu.memory_space<vmem>>, vector<1x16xi32>,
        %swap3A_80 = vector.shape_cast %swap3A_79 : vector<1x16xi32> to vector<16xi32>
        %swap3A_81 = vector.shape_cast %and3A_75 : vector<16xi32> to vector<1x16xi32>
        tpu.vector_store %arg6[%swap3A, %swap3A_78], %swap3A_81 {strides = array<i32>} : memref<40x128xi32, #tpu.memory_space<vmem>>, vector<1x16xi32>,
        %shift_right_logical3A = arith.constant 13 : i32
        %shift_right_logical3A_82 = vector.broadcast %shift_right_logical3A : i32 to vector<16xi32>
        %shift_right_logical3A_83 = arith.shrui %get3A_73, %shift_right_logical3A_82 : vector<16xi32>
        %mul3A_84 = arith.constant 16 : i32
        %mul3A_85 = arith.muli %scan3A_67, %mul3A_84 : i32
        %swap3A_86 = arith.index_cast %scan3A_58 : i32 to index
        %swap3A_87 = arith.index_cast %mul3A_85 : i32 to index
        %swap3A_88 = tpu.vector_load %arg7[%swap3A_86, %swap3A_87] {strides = array<i32>} : memref<40x128xi32, #tpu.memory_space<vmem>>, vector<1x16xi32>,
        %swap3A_89 = vector.shape_cast %swap3A_88 : vector<1x16xi32> to vector<16xi32>
        %swap3A_90 = vector.shape_cast %shift_right_logical3A_83 : vector<16xi32> to vector<1x16xi32>
        tpu.vector_store %arg7[%swap3A_86, %swap3A_87], %swap3A_90 {strides = array<i32>} : memref<40x128xi32, #tpu.memory_space<vmem>>, vector<1x16xi32>,
        %scan3A_91 = arith.constant 0 : i32
        scf.yield %scan3A_91 : i32
      }
      %scan3A_66 = arith.constant 8 : i32
      scf.yield %scan3A_65 : i32
    }
    %scan3A_19 = arith.constant 40 : i32
    %barrier3A = arith.constant 0 : index
    tpu.barrier barrier_id(%barrier3A)
    %dma_start3A = arith.constant 0 : i32
    %dma_start3A_20 = arith.constant 0 : i32
    %dma_start3A_21 = tpu.memref_slice %arg6[%dma_start3A, %dma_start3A_20] : memref<40x128xi32, #tpu.memory_space<vmem>> -> memref<1x128xi32, #tpu.memory_space<vmem>>
    %dma_start3A_22 = tpu.memref_squeeze %dma_start3A_21 : memref<1x128xi32, #tpu.memory_space<vmem>> -> memref<128xi32, #tpu.memory_space<vmem>>
    %dma_start3A_23 = arith.constant 0 : i32
    %dma_start3A_24 = arith.constant 0 : i32
    %dma_start3A_25 = tpu.memref_slice %arg11[%dma_start3A_23, %dma_start3A_24] : memref<5120x128xf32, #tpu.memory_space<vmem_shared>> -> memref<5120x128xf32, #tpu.memory_space<vmem_shared>>
    tpu.enqueue_indirect_dma source(%dma_start3A_25 : memref<5120x128xf32, #tpu.memory_space<vmem_shared>>) target(%arg8 : memref<128x128xf32, #tpu.memory_space<vmem>>) offsets(%dma_start3A_22 : memref<128xi32, #tpu.memory_space<vmem>>) semaphore(%arg13 : memref<!tpu.dma_semaphore, #tpu.memory_space<semaphore_mem>>)
    %dma_start3A_26 = arith.constant 1 : i32
    %dma_start3A_27 = arith.constant 0 : i32
    %dma_start3A_28 = tpu.memref_slice %arg6[%dma_start3A_26, %dma_start3A_27] : memref<40x128xi32, #tpu.memory_space<vmem>> -> memref<1x128xi32, #tpu.memory_space<vmem>>
    %dma_start3A_29 = tpu.memref_squeeze %dma_start3A_28 : memref<1x128xi32, #tpu.memory_space<vmem>> -> memref<128xi32, #tpu.memory_space<vmem>>
    %dma_start3A_30 = arith.constant 0 : i32
    %dma_start3A_31 = arith.constant 0 : i32
    %dma_start3A_32 = tpu.memref_slice %arg11[%dma_start3A_30, %dma_start3A_31] : memref<5120x128xf32, #tpu.memory_space<vmem_shared>> -> memref<5120x128xf32, #tpu.memory_space<vmem_shared>>
    tpu.enqueue_indirect_dma source(%dma_start3A_32 : memref<5120x128xf32, #tpu.memory_space<vmem_shared>>) target(%arg9 : memref<128x128xf32, #tpu.memory_space<vmem>>) offsets(%dma_start3A_29 : memref<128xi32, #tpu.memory_space<vmem>>) semaphore(%arg14 : memref<!tpu.dma_semaphore, #tpu.memory_space<semaphore_mem>>)
    %scan3A_33 = arith.constant 0 : i32
    %scan3A_34 = arith.constant 0 : i32
    %scan3A_35 = arith.constant 20 : i32
    %scan3A_36 = arith.addi %scan3A_34, %scan3A_35 : i32
    %scan3A_37 = arith.constant 1 : i32
    %scan3A_38 = scf.for %scan3A_58 = %scan3A_34 to %scan3A_36 step %scan3A_37 iter_args(%scan3A_59 = %scan3A_33) -> (i32)  : i32 {
      %mul3A_60 = arith.constant 2 : i32
      %mul3A_61 = arith.muli %scan3A_58, %mul3A_60 : i32
      %dma_wait3A_62 = arith.constant 0 : i32
      %dma_wait3A_63 = arith.constant 0 : i32
      %dma_wait3A_64 = tpu.memref_slice %arg6[%dma_wait3A_62, %dma_wait3A_63] : memref<40x128xi32, #tpu.memory_space<vmem>> -> memref<1x128xi32, #tpu.memory_space<vmem>>
      %dma_wait3A_65 = tpu.memref_squeeze %dma_wait3A_64 : memref<1x128xi32, #tpu.memory_space<vmem>> -> memref<128xi32, #tpu.memory_space<vmem>>
      %dma_wait3A_66 = arith.constant 0 : i32
      %dma_wait3A_67 = arith.constant 0 : i32
      %dma_wait3A_68 = tpu.memref_slice %arg11[%dma_wait3A_66, %dma_wait3A_67] : memref<5120x128xf32, #tpu.memory_space<vmem_shared>> -> memref<5120x128xf32, #tpu.memory_space<vmem_shared>>
      tpu.wait_indirect_dma semaphore(%arg13 : memref<!tpu.dma_semaphore, #tpu.memory_space<semaphore_mem>>) src(%dma_wait3A_68 : memref<5120x128xf32, #tpu.memory_space<vmem_shared>>) dst(%arg8 : memref<128x128xf32, #tpu.memory_space<vmem>>)
      %add3A_69 = arith.constant 0 : i32
      %add3A_70 = arith.addi %mul3A_61, %add3A_69 : i32
      %dma_start3A_71 = arith.constant 0 : i32
      %dma_start3A_72 = tpu.memref_slice %arg7[%add3A_70, %dma_start3A_71] : memref<40x128xi32, #tpu.memory_space<vmem>> -> memref<1x128xi32, #tpu.memory_space<vmem>>
      %dma_start3A_73 = tpu.memref_squeeze %dma_start3A_72 : memref<1x128xi32, #tpu.memory_space<vmem>> -> memref<128xi32, #tpu.memory_space<vmem>>
      %dma_start3A_74 = arith.constant 0 : i32
      %dma_start3A_75 = arith.constant 0 : i32
      %dma_start3A_76 = tpu.memref_slice %arg12[%dma_start3A_74, %dma_start3A_75] : memref<2560x128xf32, #tpu.memory_space<vmem_shared>> -> memref<2560x128xf32, #tpu.memory_space<vmem_shared>>
      tpu.enqueue_indirect_dma source(%arg8 : memref<128x128xf32, #tpu.memory_space<vmem>>) target(%dma_start3A_76 : memref<2560x128xf32, #tpu.memory_space<vmem_shared>>) offsets(%dma_start3A_73 : memref<128xi32, #tpu.memory_space<vmem>>) semaphore(%arg15 : memref<!tpu.dma_semaphore, #tpu.memory_space<semaphore_mem>>) {add = true}
      %dma_wait3A_77 = arith.constant 0 : i32
      %dma_wait3A_78 = arith.constant 0 : i32
      %dma_wait3A_79 = tpu.memref_slice %arg6[%dma_wait3A_77, %dma_wait3A_78] : memref<40x128xi32, #tpu.memory_space<vmem>> -> memref<1x128xi32, #tpu.memory_space<vmem>>
      %dma_wait3A_80 = tpu.memref_squeeze %dma_wait3A_79 : memref<1x128xi32, #tpu.memory_space<vmem>> -> memref<128xi32, #tpu.memory_space<vmem>>
      %dma_wait3A_81 = arith.constant 0 : i32
      %dma_wait3A_82 = arith.constant 0 : i32
      %dma_wait3A_83 = tpu.memref_slice %arg11[%dma_wait3A_81, %dma_wait3A_82] : memref<5120x128xf32, #tpu.memory_space<vmem_shared>> -> memref<5120x128xf32, #tpu.memory_space<vmem_shared>>
      tpu.wait_indirect_dma semaphore(%arg14 : memref<!tpu.dma_semaphore, #tpu.memory_space<semaphore_mem>>) src(%dma_wait3A_83 : memref<5120x128xf32, #tpu.memory_space<vmem_shared>>) dst(%arg9 : memref<128x128xf32, #tpu.memory_space<vmem>>)
      %add3A_84 = arith.constant 1 : i32
      %add3A_85 = arith.addi %mul3A_61, %add3A_84 : i32
      %dma_start3A_86 = arith.constant 0 : i32
      %dma_start3A_87 = tpu.memref_slice %arg7[%add3A_85, %dma_start3A_86] : memref<40x128xi32, #tpu.memory_space<vmem>> -> memref<1x128xi32, #tpu.memory_space<vmem>>
      %dma_start3A_88 = tpu.memref_squeeze %dma_start3A_87 : memref<1x128xi32, #tpu.memory_space<vmem>> -> memref<128xi32, #tpu.memory_space<vmem>>
      %dma_start3A_89 = arith.constant 0 : i32
      %dma_start3A_90 = arith.constant 0 : i32
      %dma_start3A_91 = tpu.memref_slice %arg12[%dma_start3A_89, %dma_start3A_90] : memref<2560x128xf32, #tpu.memory_space<vmem_shared>> -> memref<2560x128xf32, #tpu.memory_space<vmem_shared>>
      tpu.enqueue_indirect_dma source(%arg9 : memref<128x128xf32, #tpu.memory_space<vmem>>) target(%dma_start3A_91 : memref<2560x128xf32, #tpu.memory_space<vmem_shared>>) offsets(%dma_start3A_88 : memref<128xi32, #tpu.memory_space<vmem>>) semaphore(%arg16 : memref<!tpu.dma_semaphore, #tpu.memory_space<semaphore_mem>>) {add = true}
      %add3A_92 = arith.constant 0 : i32
      %add3A_93 = arith.addi %mul3A_61, %add3A_92 : i32
      %add3A_94 = arith.constant 2 : i32
      %add3A_95 = arith.addi %add3A_93, %add3A_94 : i32
      %lt3A = arith.constant 40 : i32
      %lt3A_96 = arith.cmpi slt, %add3A_95, %lt3A : i32
      %convert_element_type3A = arith.extui %lt3A_96 : i1 to i32
      %cond3A = arith.constant 0 : i32
      %cond3A_97 = arith.cmpi ne, %convert_element_type3A, %cond3A : i32
      scf.if %cond3A_97 {
        %dma_wait3A_108 = arith.constant 0 : i32
        %dma_wait3A_109 = arith.constant 0 : i32
        %dma_wait3A_110 = tpu.memref_slice %arg7[%dma_wait3A_108, %dma_wait3A_109] : memref<40x128xi32, #tpu.memory_space<vmem>> -> memref<1x128xi32, #tpu.memory_space<vmem>>
        %dma_wait3A_111 = tpu.memref_squeeze %dma_wait3A_110 : memref<1x128xi32, #tpu.memory_space<vmem>> -> memref<128xi32, #tpu.memory_space<vmem>>
        %dma_wait3A_112 = arith.constant 0 : i32
        %dma_wait3A_113 = arith.constant 0 : i32
        %dma_wait3A_114 = tpu.memref_slice %arg12[%dma_wait3A_112, %dma_wait3A_113] : memref<2560x128xf32, #tpu.memory_space<vmem_shared>> -> memref<2560x128xf32, #tpu.memory_space<vmem_shared>>
        tpu.wait_indirect_dma semaphore(%arg15 : memref<!tpu.dma_semaphore, #tpu.memory_space<semaphore_mem>>) src(%arg8 : memref<128x128xf32, #tpu.memory_space<vmem>>) dst(%dma_wait3A_114 : memref<2560x128xf32, #tpu.memory_space<vmem_shared>>)
        %dma_start3A_115 = arith.constant 0 : i32
        %dma_start3A_116 = tpu.memref_slice %arg6[%add3A_95, %dma_start3A_115] : memref<40x128xi32, #tpu.memory_space<vmem>> -> memref<1x128xi32, #tpu.memory_space<vmem>>
        %dma_start3A_117 = tpu.memref_squeeze %dma_start3A_116 : memref<1x128xi32, #tpu.memory_space<vmem>> -> memref<128xi32, #tpu.memory_space<vmem>>
        %dma_start3A_118 = arith.constant 0 : i32
        %dma_start3A_119 = arith.constant 0 : i32
        %dma_start3A_120 = tpu.memref_slice %arg11[%dma_start3A_118, %dma_start3A_119] : memref<5120x128xf32, #tpu.memory_space<vmem_shared>> -> memref<5120x128xf32, #tpu.memory_space<vmem_shared>>
        tpu.enqueue_indirect_dma source(%dma_start3A_120 : memref<5120x128xf32, #tpu.memory_space<vmem_shared>>) target(%arg8 : memref<128x128xf32, #tpu.memory_space<vmem>>) offsets(%dma_start3A_117 : memref<128xi32, #tpu.memory_space<vmem>>) semaphore(%arg13 : memref<!tpu.dma_semaphore, #tpu.memory_space<semaphore_mem>>)
      } else {
      }
      %add3A_98 = arith.constant 1 : i32
      %add3A_99 = arith.addi %mul3A_61, %add3A_98 : i32
      %add3A_100 = arith.constant 2 : i32
      %add3A_101 = arith.addi %add3A_99, %add3A_100 : i32
      %lt3A_102 = arith.constant 40 : i32
      %lt3A_103 = arith.cmpi slt, %add3A_101, %lt3A_102 : i32
      %convert_element_type3A_104 = arith.extui %lt3A_103 : i1 to i32
      %cond3A_105 = arith.constant 0 : i32
      %cond3A_106 = arith.cmpi ne, %convert_element_type3A_104, %cond3A_105 : i32
      scf.if %cond3A_106 {
        %dma_wait3A_108 = arith.constant 0 : i32
        %dma_wait3A_109 = arith.constant 0 : i32
        %dma_wait3A_110 = tpu.memref_slice %arg7[%dma_wait3A_108, %dma_wait3A_109] : memref<40x128xi32, #tpu.memory_space<vmem>> -> memref<1x128xi32, #tpu.memory_space<vmem>>
        %dma_wait3A_111 = tpu.memref_squeeze %dma_wait3A_110 : memref<1x128xi32, #tpu.memory_space<vmem>> -> memref<128xi32, #tpu.memory_space<vmem>>
        %dma_wait3A_112 = arith.constant 0 : i32
        %dma_wait3A_113 = arith.constant 0 : i32
        %dma_wait3A_114 = tpu.memref_slice %arg12[%dma_wait3A_112, %dma_wait3A_113] : memref<2560x128xf32, #tpu.memory_space<vmem_shared>> -> memref<2560x128xf32, #tpu.memory_space<vmem_shared>>
        tpu.wait_indirect_dma semaphore(%arg16 : memref<!tpu.dma_semaphore, #tpu.memory_space<semaphore_mem>>) src(%arg9 : memref<128x128xf32, #tpu.memory_space<vmem>>) dst(%dma_wait3A_114 : memref<2560x128xf32, #tpu.memory_space<vmem_shared>>)
        %dma_start3A_115 = arith.constant 0 : i32
        %dma_start3A_116 = tpu.memref_slice %arg6[%add3A_101, %dma_start3A_115] : memref<40x128xi32, #tpu.memory_space<vmem>> -> memref<1x128xi32, #tpu.memory_space<vmem>>
        %dma_start3A_117 = tpu.memref_squeeze %dma_start3A_116 : memref<1x128xi32, #tpu.memory_space<vmem>> -> memref<128xi32, #tpu.memory_space<vmem>>
        %dma_start3A_118 = arith.constant 0 : i32
        %dma_start3A_119 = arith.constant 0 : i32
        %dma_start3A_120 = tpu.memref_slice %arg11[%dma_start3A_118, %dma_start3A_119] : memref<5120x128xf32, #tpu.memory_space<vmem_shared>> -> memref<5120x128xf32, #tpu.memory_space<vmem_shared>>
        tpu.enqueue_indirect_dma source(%dma_start3A_120 : memref<5120x128xf32, #tpu.memory_space<vmem_shared>>) target(%arg9 : memref<128x128xf32, #tpu.memory_space<vmem>>) offsets(%dma_start3A_117 : memref<128xi32, #tpu.memory_space<vmem>>) semaphore(%arg14 : memref<!tpu.dma_semaphore, #tpu.memory_space<semaphore_mem>>)
      } else {
      }
      %scan3A_107 = arith.constant 0 : i32
      scf.yield %scan3A_107 : i32
    }
    %scan3A_39 = arith.constant 20 : i32
    %dma_wait3A = arith.constant 0 : i32
    %dma_wait3A_40 = arith.constant 0 : i32
    %dma_wait3A_41 = tpu.memref_slice %arg7[%dma_wait3A, %dma_wait3A_40] : memref<40x128xi32, #tpu.memory_space<vmem>> -> memref<1x128xi32, #tpu.memory_space<vmem>>
    %dma_wait3A_42 = tpu.memref_squeeze %dma_wait3A_41 : memref<1x128xi32, #tpu.memory_space<vmem>> -> memref<128xi32, #tpu.memory_space<vmem>>
    %dma_wait3A_43 = arith.constant 0 : i32
    %dma_wait3A_44 = arith.constant 0 : i32
    %dma_wait3A_45 = tpu.memref_slice %arg12[%dma_wait3A_43, %dma_wait3A_44] : memref<2560x128xf32, #tpu.memory_space<vmem_shared>> -> memref<2560x128xf32, #tpu.memory_space<vmem_shared>>
    tpu.wait_indirect_dma semaphore(%arg15 : memref<!tpu.dma_semaphore, #tpu.memory_space<semaphore_mem>>) src(%arg8 : memref<128x128xf32, #tpu.memory_space<vmem>>) dst(%dma_wait3A_45 : memref<2560x128xf32, #tpu.memory_space<vmem_shared>>)
    %dma_wait3A_46 = arith.constant 0 : i32
    %dma_wait3A_47 = arith.constant 0 : i32
    %dma_wait3A_48 = tpu.memref_slice %arg7[%dma_wait3A_46, %dma_wait3A_47] : memref<40x128xi32, #tpu.memory_space<vmem>> -> memref<1x128xi32, #tpu.memory_space<vmem>>
    %dma_wait3A_49 = tpu.memref_squeeze %dma_wait3A_48 : memref<1x128xi32, #tpu.memory_space<vmem>> -> memref<128xi32, #tpu.memory_space<vmem>>
    %dma_wait3A_50 = arith.constant 0 : i32
    %dma_wait3A_51 = arith.constant 0 : i32
    %dma_wait3A_52 = tpu.memref_slice %arg12[%dma_wait3A_50, %dma_wait3A_51] : memref<2560x128xf32, #tpu.memory_space<vmem_shared>> -> memref<2560x128xf32, #tpu.memory_space<vmem_shared>>
    tpu.wait_indirect_dma semaphore(%arg16 : memref<!tpu.dma_semaphore, #tpu.memory_space<semaphore_mem>>) src(%arg9 : memref<128x128xf32, #tpu.memory_space<vmem>>) dst(%dma_wait3A_52 : memref<2560x128xf32, #tpu.memory_space<vmem_shared>>)
    %barrier3A_53 = arith.constant 0 : index
    tpu.barrier barrier_id(%barrier3A_53)
    %mul3A_54 = arith.constant 160 : i32
    %mul3A_55 = arith.muli %arg1, %mul3A_54 : i32
    "tpu.region"() ({
      %run_scoped3A = tpu.sem_alloc : memref<!tpu.dma_semaphore, #tpu.memory_space<semaphore_mem>>
      %dma_start3A_58 = arith.constant 0 : i32
      %dma_start3A_59 = tpu.memref_slice %arg12[%mul3A_55, %dma_start3A_58] : memref<2560x128xf32, #tpu.memory_space<vmem_shared>> -> memref<160x128xf32, #tpu.memory_space<vmem_shared>>
      %dma_start3A_60 = arith.constant 0 : i32
      %dma_start3A_61 = tpu.memref_slice %arg12[%mul3A_55, %dma_start3A_60] : memref<2560x128xf32, #tpu.memory_space<vmem_shared>> -> memref<160x128xf32, #tpu.memory_space<vmem_shared>>
      tpu.enqueue_dma source(%dma_start3A_61 : memref<160x128xf32, #tpu.memory_space<vmem_shared>>) target(%arg10 : memref<160x128xf32, #tpu.memory_space<vmem>>) target_semaphore(%run_scoped3A : memref<!tpu.dma_semaphore, #tpu.memory_space<semaphore_mem>>)
      %dma_wait3A_62 = arith.constant 0 : i32
      %dma_wait3A_63 = tpu.memref_slice %arg12[%mul3A_55, %dma_wait3A_62] : memref<2560x128xf32, #tpu.memory_space<vmem_shared>> -> memref<160x128xf32, #tpu.memory_space<vmem_shared>>
      %dma_wait3A_64 = arith.constant 0 : i32
      %dma_wait3A_65 = tpu.memref_slice %arg12[%mul3A_55, %dma_wait3A_64] : memref<2560x128xf32, #tpu.memory_space<vmem_shared>> -> memref<160x128xf32, #tpu.memory_space<vmem_shared>>
      tpu.wait_dma2 semaphore(%run_scoped3A : memref<!tpu.dma_semaphore, #tpu.memory_space<semaphore_mem>>) src(%dma_wait3A_65 : memref<160x128xf32, #tpu.memory_space<vmem_shared>>) dst(%arg10 : memref<160x128xf32, #tpu.memory_space<vmem>>)
      tpu.yield
    }) : () -> ()
    %mul3A_56 = arith.constant 160 : i32
    %mul3A_57 = arith.muli %arg1, %mul3A_56 : i32
    "tpu.region"() ({
      %run_scoped3A = tpu.sem_alloc : memref<!tpu.dma_semaphore, #tpu.memory_space<semaphore_mem>>
      %dma_start3A_58 = arith.constant 0 : i32
      %dma_start3A_59 = tpu.memref_slice %arg4[%arg0, %mul3A_57, %dma_start3A_58] : memref<2x2560x128xf32, #tpu.memory_space<hbm>> -> memref<1x160x128xf32, #tpu.memory_space<hbm>>
      %dma_start3A_60 = tpu.memref_squeeze %dma_start3A_59 : memref<1x160x128xf32, #tpu.memory_space<hbm>> -> memref<160x128xf32, #tpu.memory_space<hbm>>
      %dma_start3A_61 = arith.constant 0 : i32
      %dma_start3A_62 = tpu.memref_slice %arg4[%arg0, %mul3A_57, %dma_start3A_61] : memref<2x2560x128xf32, #tpu.memory_space<hbm>> -> memref<1x160x128xf32, #tpu.memory_space<hbm>>
      %dma_start3A_63 = tpu.memref_squeeze %dma_start3A_62 : memref<1x160x128xf32, #tpu.memory_space<hbm>> -> memref<160x128xf32, #tpu.memory_space<hbm>>
      tpu.enqueue_dma source(%arg10 : memref<160x128xf32, #tpu.memory_space<vmem>>) target(%dma_start3A_63 : memref<160x128xf32, #tpu.memory_space<hbm>>) target_semaphore(%run_scoped3A : memref<!tpu.dma_semaphore, #tpu.memory_space<semaphore_mem>>)
      %dma_wait3A_64 = arith.constant 0 : i32
      %dma_wait3A_65 = tpu.memref_slice %arg4[%arg0, %mul3A_57, %dma_wait3A_64] : memref<2x2560x128xf32, #tpu.memory_space<hbm>> -> memref<1x160x128xf32, #tpu.memory_space<hbm>>
      %dma_wait3A_66 = tpu.memref_squeeze %dma_wait3A_65 : memref<1x160x128xf32, #tpu.memory_space<hbm>> -> memref<160x128xf32, #tpu.memory_space<hbm>>
      %dma_wait3A_67 = arith.constant 0 : i32
      %dma_wait3A_68 = tpu.memref_slice %arg4[%arg0, %mul3A_57, %dma_wait3A_67] : memref<2x2560x128xf32, #tpu.memory_space<hbm>> -> memref<1x160x128xf32, #tpu.memory_space<hbm>>
      %dma_wait3A_69 = tpu.memref_squeeze %dma_wait3A_68 : memref<1x160x128xf32, #tpu.memory_space<hbm>> -> memref<160x128xf32, #tpu.memory_space<hbm>>
      tpu.wait_dma2 semaphore(%run_scoped3A : memref<!tpu.dma_semaphore, #tpu.memory_space<semaphore_mem>>) src(%arg10 : memref<160x128xf32, #tpu.memory_space<vmem>>) dst(%dma_wait3A_69 : memref<160x128xf32, #tpu.memory_space<hbm>>)
      tpu.yield
    }) : () -> ()
    return
  }
}

#map = affine_map<(d0, d1) -> (0, 0)>
#map1 = affine_map<(d0, d1) -> (0, 0, 0)>
module attributes {stable_mosaic.version = 14 : i64} {
  func.func @k(%arg0: i32, %arg1: i32, %arg2: memref<2560x128xf32, #tpu.memory_space<hbm>>, %arg3: memref<32x40x128xi32, #tpu.memory_space<hbm>>, %arg4: memref<2x2560x128xf32, #tpu.memory_space<hbm>>, %arg5: memref<40x128xi32, #tpu.memory_space<vmem>>, %arg6: memref<40x128xi32, #tpu.memory_space<vmem>>, %arg7: memref<40x128xi32, #tpu.memory_space<vmem>>, %arg8: memref<128x128xf32, #tpu.memory_space<vmem>>, %arg9: memref<128x128xf32, #tpu.memory_space<vmem>>, %arg10: memref<160x128xf32, #tpu.memory_space<vmem>>, %arg11: memref<2560x128xf32, #tpu.memory_space<vmem_shared>>, %arg12: memref<2560x128xf32, #tpu.memory_space<vmem_shared>>, %arg13: memref<!tpu.dma_semaphore, #tpu.memory_space<semaphore_mem>>, %arg14: memref<!tpu.dma_semaphore, #tpu.memory_space<semaphore_mem>>, %arg15: memref<!tpu.dma_semaphore, #tpu.memory_space<semaphore_mem>>, %arg16: memref<!tpu.dma_semaphore, #tpu.memory_space<semaphore_mem>>) attributes {dimension_semantics = [#tpu.dimension_semantics<core_parallel>, #tpu.dimension_semantics<subcore_parallel>], iteration_bounds = array<i64: 2, 16>, scalar_prefetch = 0 : i64, scratch_operands = 12 : i64, tpu.core_type = #tpu.core_type<sc_vector_subcore>, window_params = [{transform_indices = #map}, {transform_indices = #map1}, {transform_indices = #map1}]} {
    %mul3A = arith.constant 16 : i32
    %mul3A_0 = arith.muli %arg0, %mul3A : i32
    %add3A = arith.addi %mul3A_0, %arg1 : i32
    %mul3A_1 = arith.constant 160 : i32
    %mul3A_2 = arith.muli %arg1, %mul3A_1 : i32
    %mul3A_3 = arith.constant 160 : i32
    %mul3A_4 = arith.muli %arg1, %mul3A_3 : i32
    "tpu.region"() ({
      %run_scoped3A = tpu.sem_alloc : memref<!tpu.dma_semaphore, #tpu.memory_space<semaphore_mem>>
      %dma_start3A_58 = arith.constant 0 : i32
      %dma_start3A_59 = tpu.memref_slice %arg11[%mul3A_4, %dma_start3A_58] : memref<2560x128xf32, #tpu.memory_space<vmem_shared>> -> memref<160x128xf32, #tpu.memory_space<vmem_shared>>
      %dma_start3A_60 = arith.constant 0 : i32
      %dma_start3A_61 = tpu.memref_slice %arg2[%mul3A_2, %dma_start3A_60] : memref<2560x128xf32, #tpu.memory_space<hbm>> -> memref<160x128xf32, #tpu.memory_space<hbm>>
      tpu.enqueue_dma source(%dma_start3A_61 : memref<160x128xf32, #tpu.memory_space<hbm>>) target(%dma_start3A_59 : memref<160x128xf32, #tpu.memory_space<vmem_shared>>) target_semaphore(%run_scoped3A : memref<!tpu.dma_semaphore, #tpu.memory_space<semaphore_mem>>)
      %dma_wait3A_62 = arith.constant 0 : i32
      %dma_wait3A_63 = tpu.memref_slice %arg11[%mul3A_4, %dma_wait3A_62] : memref<2560x128xf32, #tpu.memory_space<vmem_shared>> -> memref<160x128xf32, #tpu.memory_space<vmem_shared>>
      %dma_wait3A_64 = arith.constant 0 : i32
      %dma_wait3A_65 = tpu.memref_slice %arg2[%mul3A_2, %dma_wait3A_64] : memref<2560x128xf32, #tpu.memory_space<hbm>> -> memref<160x128xf32, #tpu.memory_space<hbm>>
      tpu.wait_dma2 semaphore(%run_scoped3A : memref<!tpu.dma_semaphore, #tpu.memory_space<semaphore_mem>>) src(%dma_wait3A_65 : memref<160x128xf32, #tpu.memory_space<hbm>>) dst(%dma_wait3A_63 : memref<160x128xf32, #tpu.memory_space<vmem_shared>>)
      tpu.yield
    }) : () -> ()
    "tpu.region"() ({
      %run_scoped3A = tpu.sem_alloc : memref<!tpu.dma_semaphore, #tpu.memory_space<semaphore_mem>>
      %dma_start3A_58 = arith.constant 0 : i32
      %dma_start3A_59 = arith.constant 0 : i32
      %dma_start3A_60 = tpu.memref_slice %arg3[%add3A, %dma_start3A_58, %dma_start3A_59] : memref<32x40x128xi32, #tpu.memory_space<hbm>> -> memref<1x40x128xi32, #tpu.memory_space<hbm>>
      %dma_start3A_61 = tpu.memref_squeeze %dma_start3A_60 : memref<1x40x128xi32, #tpu.memory_space<hbm>> -> memref<40x128xi32, #tpu.memory_space<hbm>>
      %dma_start3A_62 = arith.constant 0 : i32
      %dma_start3A_63 = arith.constant 0 : i32
      %dma_start3A_64 = tpu.memref_slice %arg3[%add3A, %dma_start3A_62, %dma_start3A_63] : memref<32x40x128xi32, #tpu.memory_space<hbm>> -> memref<1x40x128xi32, #tpu.memory_space<hbm>>
      %dma_start3A_65 = tpu.memref_squeeze %dma_start3A_64 : memref<1x40x128xi32, #tpu.memory_space<hbm>> -> memref<40x128xi32, #tpu.memory_space<hbm>>
      tpu.enqueue_dma source(%dma_start3A_65 : memref<40x128xi32, #tpu.memory_space<hbm>>) target(%arg5 : memref<40x128xi32, #tpu.memory_space<vmem>>) target_semaphore(%run_scoped3A : memref<!tpu.dma_semaphore, #tpu.memory_space<semaphore_mem>>)
      %dma_wait3A_66 = arith.constant 0 : i32
      %dma_wait3A_67 = arith.constant 0 : i32
      %dma_wait3A_68 = tpu.memref_slice %arg3[%add3A, %dma_wait3A_66, %dma_wait3A_67] : memref<32x40x128xi32, #tpu.memory_space<hbm>> -> memref<1x40x128xi32, #tpu.memory_space<hbm>>
      %dma_wait3A_69 = tpu.memref_squeeze %dma_wait3A_68 : memref<1x40x128xi32, #tpu.memory_space<hbm>> -> memref<40x128xi32, #tpu.memory_space<hbm>>
      %dma_wait3A_70 = arith.constant 0 : i32
      %dma_wait3A_71 = arith.constant 0 : i32
      %dma_wait3A_72 = tpu.memref_slice %arg3[%add3A, %dma_wait3A_70, %dma_wait3A_71] : memref<32x40x128xi32, #tpu.memory_space<hbm>> -> memref<1x40x128xi32, #tpu.memory_space<hbm>>
      %dma_wait3A_73 = tpu.memref_squeeze %dma_wait3A_72 : memref<1x40x128xi32, #tpu.memory_space<hbm>> -> memref<40x128xi32, #tpu.memory_space<hbm>>
      tpu.wait_dma2 semaphore(%run_scoped3A : memref<!tpu.dma_semaphore, #tpu.memory_space<semaphore_mem>>) src(%dma_wait3A_73 : memref<40x128xi32, #tpu.memory_space<hbm>>) dst(%arg5 : memref<40x128xi32, #tpu.memory_space<vmem>>)
      tpu.yield
    }) : () -> ()
    %scan3A = arith.constant 0 : i32
    %scan3A_5 = arith.constant 0 : i32
    %scan3A_6 = arith.constant 160 : i32
    %scan3A_7 = arith.addi %scan3A_5, %scan3A_6 : i32
    %scan3A_8 = arith.constant 1 : i32
    %scan3A_9 = scf.for %scan3A_58 = %scan3A_5 to %scan3A_7 step %scan3A_8 iter_args(%scan3A_59 = %scan3A) -> (i32)  : i32 {
      %scan3A_60 = arith.constant 0 : i32
      %scan3A_61 = arith.constant 0 : i32
      %scan3A_62 = arith.constant 8 : i32
      %scan3A_63 = arith.addi %scan3A_61, %scan3A_62 : i32
      %scan3A_64 = arith.constant 1 : i32
      %scan3A_65 = scf.for %scan3A_67 = %scan3A_61 to %scan3A_63 step %scan3A_64 iter_args(%scan3A_68 = %scan3A_60) -> (i32)  : i32 {
        %broadcast_in_dim3A = arith.constant 0.000000e+00 : f32
        %broadcast_in_dim3A_69 = vector.broadcast %broadcast_in_dim3A : f32 to vector<16xf32>
        %mul3A_70 = arith.constant 16 : i32
        %mul3A_71 = arith.muli %scan3A_67, %mul3A_70 : i32
        %swap3A = arith.index_cast %scan3A_58 : i32 to index
        %swap3A_72 = arith.index_cast %mul3A_71 : i32 to index
        %swap3A_73 = tpu.vector_load %arg10[%swap3A, %swap3A_72] {strides = array<i32>} : memref<160x128xf32, #tpu.memory_space<vmem>>, vector<1x16xf32>,
        %swap3A_74 = vector.shape_cast %swap3A_73 : vector<1x16xf32> to vector<16xf32>
        %swap3A_75 = vector.shape_cast %broadcast_in_dim3A_69 : vector<16xf32> to vector<1x16xf32>
        tpu.vector_store %arg10[%swap3A, %swap3A_72], %swap3A_75 {strides = array<i32>} : memref<160x128xf32, #tpu.memory_space<vmem>>, vector<1x16xf32>,
        %scan3A_76 = arith.constant 0 : i32
        scf.yield %scan3A_76 : i32
      }
      %scan3A_66 = arith.constant 8 : i32
      scf.yield %scan3A_65 : i32
    }
    %scan3A_10 = arith.constant 160 : i32
    %mul3A_11 = arith.constant 160 : i32
    %mul3A_12 = arith.muli %arg1, %mul3A_11 : i32
    "tpu.region"() ({
      %run_scoped3A = tpu.sem_alloc : memref<!tpu.dma_semaphore, #tpu.memory_space<semaphore_mem>>
      %dma_start3A_58 = arith.constant 0 : i32
      %dma_start3A_59 = tpu.memref_slice %arg12[%mul3A_12, %dma_start3A_58] : memref<2560x128xf32, #tpu.memory_space<vmem_shared>> -> memref<160x128xf32, #tpu.memory_space<vmem_shared>>
      %dma_start3A_60 = arith.constant 0 : i32
      %dma_start3A_61 = tpu.memref_slice %arg12[%mul3A_12, %dma_start3A_60] : memref<2560x128xf32, #tpu.memory_space<vmem_shared>> -> memref<160x128xf32, #tpu.memory_space<vmem_shared>>
      tpu.enqueue_dma source(%arg10 : memref<160x128xf32, #tpu.memory_space<vmem>>) target(%dma_start3A_61 : memref<160x128xf32, #tpu.memory_space<vmem_shared>>) target_semaphore(%run_scoped3A : memref<!tpu.dma_semaphore, #tpu.memory_space<semaphore_mem>>)
      %dma_wait3A_62 = arith.constant 0 : i32
      %dma_wait3A_63 = tpu.memref_slice %arg12[%mul3A_12, %dma_wait3A_62] : memref<2560x128xf32, #tpu.memory_space<vmem_shared>> -> memref<160x128xf32, #tpu.memory_space<vmem_shared>>
      %dma_wait3A_64 = arith.constant 0 : i32
      %dma_wait3A_65 = tpu.memref_slice %arg12[%mul3A_12, %dma_wait3A_64] : memref<2560x128xf32, #tpu.memory_space<vmem_shared>> -> memref<160x128xf32, #tpu.memory_space<vmem_shared>>
      tpu.wait_dma2 semaphore(%run_scoped3A : memref<!tpu.dma_semaphore, #tpu.memory_space<semaphore_mem>>) src(%arg10 : memref<160x128xf32, #tpu.memory_space<vmem>>) dst(%dma_wait3A_65 : memref<160x128xf32, #tpu.memory_space<vmem_shared>>)
      tpu.yield
    }) : () -> ()
    %scan3A_13 = arith.constant 0 : i32
    %scan3A_14 = arith.constant 0 : i32
    %scan3A_15 = arith.constant 40 : i32
    %scan3A_16 = arith.addi %scan3A_14, %scan3A_15 : i32
    %scan3A_17 = arith.constant 1 : i32
    %scan3A_18 = scf.for %scan3A_58 = %scan3A_14 to %scan3A_16 step %scan3A_17 iter_args(%scan3A_59 = %scan3A_13) -> (i32)  : i32 {
      %scan3A_60 = arith.constant 0 : i32
      %scan3A_61 = arith.constant 0 : i32
      %scan3A_62 = arith.constant 8 : i32
      %scan3A_63 = arith.addi %scan3A_61, %scan3A_62 : i32
      %scan3A_64 = arith.constant 1 : i32
      %scan3A_65 = scf.for %scan3A_67 = %scan3A_61 to %scan3A_63 step %scan3A_64 iter_args(%scan3A_68 = %scan3A_60) -> (i32)  : i32 {
        %mul3A_69 = arith.constant 16 : i32
        %mul3A_70 = arith.muli %scan3A_67, %mul3A_69 : i32
        %get3A = arith.index_cast %scan3A_58 : i32 to index
        %get3A_71 = arith.index_cast %mul3A_70 : i32 to index
        %get3A_72 = tpu.vector_load %arg5[%get3A, %get3A_71] {strides = array<i32>} : memref<40x128xi32, #tpu.memory_space<vmem>>, vector<1x16xi32>,
        %get3A_73 = vector.shape_cast %get3A_72 : vector<1x16xi32> to vector<16xi32>
        %and3A = arith.constant 8191 : i32
        %and3A_74 = vector.broadcast %and3A : i32 to vector<16xi32>
        %and3A_75 = arith.andi %get3A_73, %and3A_74 : vector<16xi32>
        %mul3A_76 = arith.constant 16 : i32
        %mul3A_77 = arith.muli %scan3A_67, %mul3A_76 : i32
        %swap3A = arith.index_cast %scan3A_58 : i32 to index
        %swap3A_78 = arith.index_cast %mul3A_77 : i32 to index
        %swap3A_79 = tpu.vector_load %arg6[%swap3A, %swap3A_78] {strides = array<i32>} : memref<40x128xi32, #tpu.memory_space<vmem>>, vector<1x16xi32>,
        %swap3A_80 = vector.shape_cast %swap3A_79 : vector<1x16xi32> to vector<16xi32>
        %swap3A_81 = vector.shape_cast %and3A_75 : vector<16xi32> to vector<1x16xi32>
        tpu.vector_store %arg6[%swap3A, %swap3A_78], %swap3A_81 {strides = array<i32>} : memref<40x128xi32, #tpu.memory_space<vmem>>, vector<1x16xi32>,
        %shift_right_logical3A = arith.constant 13 : i32
        %shift_right_logical3A_82 = vector.broadcast %shift_right_logical3A : i32 to vector<16xi32>
        %shift_right_logical3A_83 = arith.shrui %get3A_73, %shift_right_logical3A_82 : vector<16xi32>
        %mul3A_84 = arith.constant 16 : i32
        %mul3A_85 = arith.muli %scan3A_67, %mul3A_84 : i32
        %swap3A_86 = arith.index_cast %scan3A_58 : i32 to index
        %swap3A_87 = arith.index_cast %mul3A_85 : i32 to index
        %swap3A_88 = tpu.vector_load %arg7[%swap3A_86, %swap3A_87] {strides = array<i32>} : memref<40x128xi32, #tpu.memory_space<vmem>>, vector<1x16xi32>,
        %swap3A_89 = vector.shape_cast %swap3A_88 : vector<1x16xi32> to vector<16xi32>
        %swap3A_90 = vector.shape_cast %shift_right_logical3A_83 : vector<16xi32> to vector<1x16xi32>
        tpu.vector_store %arg7[%swap3A_86, %swap3A_87], %swap3A_90 {strides = array<i32>} : memref<40x128xi32, #tpu.memory_space<vmem>>, vector<1x16xi32>,
        %scan3A_91 = arith.constant 0 : i32
        scf.yield %scan3A_91 : i32
      }
      %scan3A_66 = arith.constant 8 : i32
      scf.yield %scan3A_65 : i32
    }
    %scan3A_19 = arith.constant 40 : i32
    %barrier3A = arith.constant 0 : index
    tpu.barrier barrier_id(%barrier3A)
    %dma_start3A = arith.constant 0 : i32
    %dma_start3A_20 = arith.constant 0 : i32
    %dma_start3A_21 = tpu.memref_slice %arg6[%dma_start3A, %dma_start3A_20] : memref<40x128xi32, #tpu.memory_space<vmem>> -> memref<1x128xi32, #tpu.memory_space<vmem>>
    %dma_start3A_22 = tpu.memref_squeeze %dma_start3A_21 : memref<1x128xi32, #tpu.memory_space<vmem>> -> memref<128xi32, #tpu.memory_space<vmem>>
    %dma_start3A_23 = arith.constant 0 : i32
    %dma_start3A_24 = arith.constant 0 : i32
    %dma_start3A_25 = tpu.memref_slice %arg11[%dma_start3A_23, %dma_start3A_24] : memref<2560x128xf32, #tpu.memory_space<vmem_shared>> -> memref<2560x128xf32, #tpu.memory_space<vmem_shared>>
    tpu.enqueue_indirect_dma source(%dma_start3A_25 : memref<2560x128xf32, #tpu.memory_space<vmem_shared>>) target(%arg8 : memref<128x128xf32, #tpu.memory_space<vmem>>) offsets(%dma_start3A_22 : memref<128xi32, #tpu.memory_space<vmem>>) semaphore(%arg13 : memref<!tpu.dma_semaphore, #tpu.memory_space<semaphore_mem>>)
    %dma_start3A_26 = arith.constant 1 : i32
    %dma_start3A_27 = arith.constant 0 : i32
    %dma_start3A_28 = tpu.memref_slice %arg6[%dma_start3A_26, %dma_start3A_27] : memref<40x128xi32, #tpu.memory_space<vmem>> -> memref<1x128xi32, #tpu.memory_space<vmem>>
    %dma_start3A_29 = tpu.memref_squeeze %dma_start3A_28 : memref<1x128xi32, #tpu.memory_space<vmem>> -> memref<128xi32, #tpu.memory_space<vmem>>
    %dma_start3A_30 = arith.constant 0 : i32
    %dma_start3A_31 = arith.constant 0 : i32
    %dma_start3A_32 = tpu.memref_slice %arg11[%dma_start3A_30, %dma_start3A_31] : memref<2560x128xf32, #tpu.memory_space<vmem_shared>> -> memref<2560x128xf32, #tpu.memory_space<vmem_shared>>
    tpu.enqueue_indirect_dma source(%dma_start3A_32 : memref<2560x128xf32, #tpu.memory_space<vmem_shared>>) target(%arg9 : memref<128x128xf32, #tpu.memory_space<vmem>>) offsets(%dma_start3A_29 : memref<128xi32, #tpu.memory_space<vmem>>) semaphore(%arg14 : memref<!tpu.dma_semaphore, #tpu.memory_space<semaphore_mem>>)
    %scan3A_33 = arith.constant 0 : i32
    %scan3A_34 = arith.constant 0 : i32
    %scan3A_35 = arith.constant 20 : i32
    %scan3A_36 = arith.addi %scan3A_34, %scan3A_35 : i32
    %scan3A_37 = arith.constant 1 : i32
    %scan3A_38 = scf.for %scan3A_58 = %scan3A_34 to %scan3A_36 step %scan3A_37 iter_args(%scan3A_59 = %scan3A_33) -> (i32)  : i32 {
      %mul3A_60 = arith.constant 2 : i32
      %mul3A_61 = arith.muli %scan3A_58, %mul3A_60 : i32
      %dma_wait3A_62 = arith.constant 0 : i32
      %dma_wait3A_63 = arith.constant 0 : i32
      %dma_wait3A_64 = tpu.memref_slice %arg6[%dma_wait3A_62, %dma_wait3A_63] : memref<40x128xi32, #tpu.memory_space<vmem>> -> memref<1x128xi32, #tpu.memory_space<vmem>>
      %dma_wait3A_65 = tpu.memref_squeeze %dma_wait3A_64 : memref<1x128xi32, #tpu.memory_space<vmem>> -> memref<128xi32, #tpu.memory_space<vmem>>
      %dma_wait3A_66 = arith.constant 0 : i32
      %dma_wait3A_67 = arith.constant 0 : i32
      %dma_wait3A_68 = tpu.memref_slice %arg11[%dma_wait3A_66, %dma_wait3A_67] : memref<2560x128xf32, #tpu.memory_space<vmem_shared>> -> memref<2560x128xf32, #tpu.memory_space<vmem_shared>>
      tpu.wait_indirect_dma semaphore(%arg13 : memref<!tpu.dma_semaphore, #tpu.memory_space<semaphore_mem>>) src(%dma_wait3A_68 : memref<2560x128xf32, #tpu.memory_space<vmem_shared>>) dst(%arg8 : memref<128x128xf32, #tpu.memory_space<vmem>>)
      %add3A_69 = arith.constant 0 : i32
      %add3A_70 = arith.addi %mul3A_61, %add3A_69 : i32
      %dma_start3A_71 = arith.constant 0 : i32
      %dma_start3A_72 = tpu.memref_slice %arg7[%add3A_70, %dma_start3A_71] : memref<40x128xi32, #tpu.memory_space<vmem>> -> memref<1x128xi32, #tpu.memory_space<vmem>>
      %dma_start3A_73 = tpu.memref_squeeze %dma_start3A_72 : memref<1x128xi32, #tpu.memory_space<vmem>> -> memref<128xi32, #tpu.memory_space<vmem>>
      %dma_start3A_74 = arith.constant 0 : i32
      %dma_start3A_75 = arith.constant 0 : i32
      %dma_start3A_76 = tpu.memref_slice %arg12[%dma_start3A_74, %dma_start3A_75] : memref<2560x128xf32, #tpu.memory_space<vmem_shared>> -> memref<2560x128xf32, #tpu.memory_space<vmem_shared>>
      tpu.enqueue_indirect_dma source(%arg8 : memref<128x128xf32, #tpu.memory_space<vmem>>) target(%dma_start3A_76 : memref<2560x128xf32, #tpu.memory_space<vmem_shared>>) offsets(%dma_start3A_73 : memref<128xi32, #tpu.memory_space<vmem>>) semaphore(%arg15 : memref<!tpu.dma_semaphore, #tpu.memory_space<semaphore_mem>>) {add = true}
      %dma_wait3A_77 = arith.constant 0 : i32
      %dma_wait3A_78 = arith.constant 0 : i32
      %dma_wait3A_79 = tpu.memref_slice %arg6[%dma_wait3A_77, %dma_wait3A_78] : memref<40x128xi32, #tpu.memory_space<vmem>> -> memref<1x128xi32, #tpu.memory_space<vmem>>
      %dma_wait3A_80 = tpu.memref_squeeze %dma_wait3A_79 : memref<1x128xi32, #tpu.memory_space<vmem>> -> memref<128xi32, #tpu.memory_space<vmem>>
      %dma_wait3A_81 = arith.constant 0 : i32
      %dma_wait3A_82 = arith.constant 0 : i32
      %dma_wait3A_83 = tpu.memref_slice %arg11[%dma_wait3A_81, %dma_wait3A_82] : memref<2560x128xf32, #tpu.memory_space<vmem_shared>> -> memref<2560x128xf32, #tpu.memory_space<vmem_shared>>
      tpu.wait_indirect_dma semaphore(%arg14 : memref<!tpu.dma_semaphore, #tpu.memory_space<semaphore_mem>>) src(%dma_wait3A_83 : memref<2560x128xf32, #tpu.memory_space<vmem_shared>>) dst(%arg9 : memref<128x128xf32, #tpu.memory_space<vmem>>)
      %add3A_84 = arith.constant 1 : i32
      %add3A_85 = arith.addi %mul3A_61, %add3A_84 : i32
      %dma_start3A_86 = arith.constant 0 : i32
      %dma_start3A_87 = tpu.memref_slice %arg7[%add3A_85, %dma_start3A_86] : memref<40x128xi32, #tpu.memory_space<vmem>> -> memref<1x128xi32, #tpu.memory_space<vmem>>
      %dma_start3A_88 = tpu.memref_squeeze %dma_start3A_87 : memref<1x128xi32, #tpu.memory_space<vmem>> -> memref<128xi32, #tpu.memory_space<vmem>>
      %dma_start3A_89 = arith.constant 0 : i32
      %dma_start3A_90 = arith.constant 0 : i32
      %dma_start3A_91 = tpu.memref_slice %arg12[%dma_start3A_89, %dma_start3A_90] : memref<2560x128xf32, #tpu.memory_space<vmem_shared>> -> memref<2560x128xf32, #tpu.memory_space<vmem_shared>>
      tpu.enqueue_indirect_dma source(%arg9 : memref<128x128xf32, #tpu.memory_space<vmem>>) target(%dma_start3A_91 : memref<2560x128xf32, #tpu.memory_space<vmem_shared>>) offsets(%dma_start3A_88 : memref<128xi32, #tpu.memory_space<vmem>>) semaphore(%arg16 : memref<!tpu.dma_semaphore, #tpu.memory_space<semaphore_mem>>) {add = true}
      %add3A_92 = arith.constant 0 : i32
      %add3A_93 = arith.addi %mul3A_61, %add3A_92 : i32
      %add3A_94 = arith.constant 2 : i32
      %add3A_95 = arith.addi %add3A_93, %add3A_94 : i32
      %lt3A = arith.constant 40 : i32
      %lt3A_96 = arith.cmpi slt, %add3A_95, %lt3A : i32
      %convert_element_type3A = arith.extui %lt3A_96 : i1 to i32
      %cond3A = arith.constant 0 : i32
      %cond3A_97 = arith.cmpi ne, %convert_element_type3A, %cond3A : i32
      scf.if %cond3A_97 {
        %dma_wait3A_108 = arith.constant 0 : i32
        %dma_wait3A_109 = arith.constant 0 : i32
        %dma_wait3A_110 = tpu.memref_slice %arg7[%dma_wait3A_108, %dma_wait3A_109] : memref<40x128xi32, #tpu.memory_space<vmem>> -> memref<1x128xi32, #tpu.memory_space<vmem>>
        %dma_wait3A_111 = tpu.memref_squeeze %dma_wait3A_110 : memref<1x128xi32, #tpu.memory_space<vmem>> -> memref<128xi32, #tpu.memory_space<vmem>>
        %dma_wait3A_112 = arith.constant 0 : i32
        %dma_wait3A_113 = arith.constant 0 : i32
        %dma_wait3A_114 = tpu.memref_slice %arg12[%dma_wait3A_112, %dma_wait3A_113] : memref<2560x128xf32, #tpu.memory_space<vmem_shared>> -> memref<2560x128xf32, #tpu.memory_space<vmem_shared>>
        tpu.wait_indirect_dma semaphore(%arg15 : memref<!tpu.dma_semaphore, #tpu.memory_space<semaphore_mem>>) src(%arg8 : memref<128x128xf32, #tpu.memory_space<vmem>>) dst(%dma_wait3A_114 : memref<2560x128xf32, #tpu.memory_space<vmem_shared>>)
        %dma_start3A_115 = arith.constant 0 : i32
        %dma_start3A_116 = tpu.memref_slice %arg6[%add3A_95, %dma_start3A_115] : memref<40x128xi32, #tpu.memory_space<vmem>> -> memref<1x128xi32, #tpu.memory_space<vmem>>
        %dma_start3A_117 = tpu.memref_squeeze %dma_start3A_116 : memref<1x128xi32, #tpu.memory_space<vmem>> -> memref<128xi32, #tpu.memory_space<vmem>>
        %dma_start3A_118 = arith.constant 0 : i32
        %dma_start3A_119 = arith.constant 0 : i32
        %dma_start3A_120 = tpu.memref_slice %arg11[%dma_start3A_118, %dma_start3A_119] : memref<2560x128xf32, #tpu.memory_space<vmem_shared>> -> memref<2560x128xf32, #tpu.memory_space<vmem_shared>>
        tpu.enqueue_indirect_dma source(%dma_start3A_120 : memref<2560x128xf32, #tpu.memory_space<vmem_shared>>) target(%arg8 : memref<128x128xf32, #tpu.memory_space<vmem>>) offsets(%dma_start3A_117 : memref<128xi32, #tpu.memory_space<vmem>>) semaphore(%arg13 : memref<!tpu.dma_semaphore, #tpu.memory_space<semaphore_mem>>)
      } else {
      }
      %add3A_98 = arith.constant 1 : i32
      %add3A_99 = arith.addi %mul3A_61, %add3A_98 : i32
      %add3A_100 = arith.constant 2 : i32
      %add3A_101 = arith.addi %add3A_99, %add3A_100 : i32
      %lt3A_102 = arith.constant 40 : i32
      %lt3A_103 = arith.cmpi slt, %add3A_101, %lt3A_102 : i32
      %convert_element_type3A_104 = arith.extui %lt3A_103 : i1 to i32
      %cond3A_105 = arith.constant 0 : i32
      %cond3A_106 = arith.cmpi ne, %convert_element_type3A_104, %cond3A_105 : i32
      scf.if %cond3A_106 {
        %dma_wait3A_108 = arith.constant 0 : i32
        %dma_wait3A_109 = arith.constant 0 : i32
        %dma_wait3A_110 = tpu.memref_slice %arg7[%dma_wait3A_108, %dma_wait3A_109] : memref<40x128xi32, #tpu.memory_space<vmem>> -> memref<1x128xi32, #tpu.memory_space<vmem>>
        %dma_wait3A_111 = tpu.memref_squeeze %dma_wait3A_110 : memref<1x128xi32, #tpu.memory_space<vmem>> -> memref<128xi32, #tpu.memory_space<vmem>>
        %dma_wait3A_112 = arith.constant 0 : i32
        %dma_wait3A_113 = arith.constant 0 : i32
        %dma_wait3A_114 = tpu.memref_slice %arg12[%dma_wait3A_112, %dma_wait3A_113] : memref<2560x128xf32, #tpu.memory_space<vmem_shared>> -> memref<2560x128xf32, #tpu.memory_space<vmem_shared>>
        tpu.wait_indirect_dma semaphore(%arg16 : memref<!tpu.dma_semaphore, #tpu.memory_space<semaphore_mem>>) src(%arg9 : memref<128x128xf32, #tpu.memory_space<vmem>>) dst(%dma_wait3A_114 : memref<2560x128xf32, #tpu.memory_space<vmem_shared>>)
        %dma_start3A_115 = arith.constant 0 : i32
        %dma_start3A_116 = tpu.memref_slice %arg6[%add3A_101, %dma_start3A_115] : memref<40x128xi32, #tpu.memory_space<vmem>> -> memref<1x128xi32, #tpu.memory_space<vmem>>
        %dma_start3A_117 = tpu.memref_squeeze %dma_start3A_116 : memref<1x128xi32, #tpu.memory_space<vmem>> -> memref<128xi32, #tpu.memory_space<vmem>>
        %dma_start3A_118 = arith.constant 0 : i32
        %dma_start3A_119 = arith.constant 0 : i32
        %dma_start3A_120 = tpu.memref_slice %arg11[%dma_start3A_118, %dma_start3A_119] : memref<2560x128xf32, #tpu.memory_space<vmem_shared>> -> memref<2560x128xf32, #tpu.memory_space<vmem_shared>>
        tpu.enqueue_indirect_dma source(%dma_start3A_120 : memref<2560x128xf32, #tpu.memory_space<vmem_shared>>) target(%arg9 : memref<128x128xf32, #tpu.memory_space<vmem>>) offsets(%dma_start3A_117 : memref<128xi32, #tpu.memory_space<vmem>>) semaphore(%arg14 : memref<!tpu.dma_semaphore, #tpu.memory_space<semaphore_mem>>)
      } else {
      }
      %scan3A_107 = arith.constant 0 : i32
      scf.yield %scan3A_107 : i32
    }
    %scan3A_39 = arith.constant 20 : i32
    %dma_wait3A = arith.constant 0 : i32
    %dma_wait3A_40 = arith.constant 0 : i32
    %dma_wait3A_41 = tpu.memref_slice %arg7[%dma_wait3A, %dma_wait3A_40] : memref<40x128xi32, #tpu.memory_space<vmem>> -> memref<1x128xi32, #tpu.memory_space<vmem>>
    %dma_wait3A_42 = tpu.memref_squeeze %dma_wait3A_41 : memref<1x128xi32, #tpu.memory_space<vmem>> -> memref<128xi32, #tpu.memory_space<vmem>>
    %dma_wait3A_43 = arith.constant 0 : i32
    %dma_wait3A_44 = arith.constant 0 : i32
    %dma_wait3A_45 = tpu.memref_slice %arg12[%dma_wait3A_43, %dma_wait3A_44] : memref<2560x128xf32, #tpu.memory_space<vmem_shared>> -> memref<2560x128xf32, #tpu.memory_space<vmem_shared>>
    tpu.wait_indirect_dma semaphore(%arg15 : memref<!tpu.dma_semaphore, #tpu.memory_space<semaphore_mem>>) src(%arg8 : memref<128x128xf32, #tpu.memory_space<vmem>>) dst(%dma_wait3A_45 : memref<2560x128xf32, #tpu.memory_space<vmem_shared>>)
    %dma_wait3A_46 = arith.constant 0 : i32
    %dma_wait3A_47 = arith.constant 0 : i32
    %dma_wait3A_48 = tpu.memref_slice %arg7[%dma_wait3A_46, %dma_wait3A_47] : memref<40x128xi32, #tpu.memory_space<vmem>> -> memref<1x128xi32, #tpu.memory_space<vmem>>
    %dma_wait3A_49 = tpu.memref_squeeze %dma_wait3A_48 : memref<1x128xi32, #tpu.memory_space<vmem>> -> memref<128xi32, #tpu.memory_space<vmem>>
    %dma_wait3A_50 = arith.constant 0 : i32
    %dma_wait3A_51 = arith.constant 0 : i32
    %dma_wait3A_52 = tpu.memref_slice %arg12[%dma_wait3A_50, %dma_wait3A_51] : memref<2560x128xf32, #tpu.memory_space<vmem_shared>> -> memref<2560x128xf32, #tpu.memory_space<vmem_shared>>
    tpu.wait_indirect_dma semaphore(%arg16 : memref<!tpu.dma_semaphore, #tpu.memory_space<semaphore_mem>>) src(%arg9 : memref<128x128xf32, #tpu.memory_space<vmem>>) dst(%dma_wait3A_52 : memref<2560x128xf32, #tpu.memory_space<vmem_shared>>)
    %barrier3A_53 = arith.constant 0 : index
    tpu.barrier barrier_id(%barrier3A_53)
    %mul3A_54 = arith.constant 160 : i32
    %mul3A_55 = arith.muli %arg1, %mul3A_54 : i32
    "tpu.region"() ({
      %run_scoped3A = tpu.sem_alloc : memref<!tpu.dma_semaphore, #tpu.memory_space<semaphore_mem>>
      %dma_start3A_58 = arith.constant 0 : i32
      %dma_start3A_59 = tpu.memref_slice %arg12[%mul3A_55, %dma_start3A_58] : memref<2560x128xf32, #tpu.memory_space<vmem_shared>> -> memref<160x128xf32, #tpu.memory_space<vmem_shared>>
      %dma_start3A_60 = arith.constant 0 : i32
      %dma_start3A_61 = tpu.memref_slice %arg12[%mul3A_55, %dma_start3A_60] : memref<2560x128xf32, #tpu.memory_space<vmem_shared>> -> memref<160x128xf32, #tpu.memory_space<vmem_shared>>
      tpu.enqueue_dma source(%dma_start3A_61 : memref<160x128xf32, #tpu.memory_space<vmem_shared>>) target(%arg10 : memref<160x128xf32, #tpu.memory_space<vmem>>) target_semaphore(%run_scoped3A : memref<!tpu.dma_semaphore, #tpu.memory_space<semaphore_mem>>)
      %dma_wait3A_62 = arith.constant 0 : i32
      %dma_wait3A_63 = tpu.memref_slice %arg12[%mul3A_55, %dma_wait3A_62] : memref<2560x128xf32, #tpu.memory_space<vmem_shared>> -> memref<160x128xf32, #tpu.memory_space<vmem_shared>>
      %dma_wait3A_64 = arith.constant 0 : i32
      %dma_wait3A_65 = tpu.memref_slice %arg12[%mul3A_55, %dma_wait3A_64] : memref<2560x128xf32, #tpu.memory_space<vmem_shared>> -> memref<160x128xf32, #tpu.memory_space<vmem_shared>>
      tpu.wait_dma2 semaphore(%run_scoped3A : memref<!tpu.dma_semaphore, #tpu.memory_space<semaphore_mem>>) src(%dma_wait3A_65 : memref<160x128xf32, #tpu.memory_space<vmem_shared>>) dst(%arg10 : memref<160x128xf32, #tpu.memory_space<vmem>>)
      tpu.yield
    }) : () -> ()
    %mul3A_56 = arith.constant 160 : i32
    %mul3A_57 = arith.muli %arg1, %mul3A_56 : i32
    "tpu.region"() ({
      %run_scoped3A = tpu.sem_alloc : memref<!tpu.dma_semaphore, #tpu.memory_space<semaphore_mem>>
      %dma_start3A_58 = arith.constant 0 : i32
      %dma_start3A_59 = tpu.memref_slice %arg4[%arg0, %mul3A_57, %dma_start3A_58] : memref<2x2560x128xf32, #tpu.memory_space<hbm>> -> memref<1x160x128xf32, #tpu.memory_space<hbm>>
      %dma_start3A_60 = tpu.memref_squeeze %dma_start3A_59 : memref<1x160x128xf32, #tpu.memory_space<hbm>> -> memref<160x128xf32, #tpu.memory_space<hbm>>
      %dma_start3A_61 = arith.constant 0 : i32
      %dma_start3A_62 = tpu.memref_slice %arg4[%arg0, %mul3A_57, %dma_start3A_61] : memref<2x2560x128xf32, #tpu.memory_space<hbm>> -> memref<1x160x128xf32, #tpu.memory_space<hbm>>
      %dma_start3A_63 = tpu.memref_squeeze %dma_start3A_62 : memref<1x160x128xf32, #tpu.memory_space<hbm>> -> memref<160x128xf32, #tpu.memory_space<hbm>>
      tpu.enqueue_dma source(%arg10 : memref<160x128xf32, #tpu.memory_space<vmem>>) target(%dma_start3A_63 : memref<160x128xf32, #tpu.memory_space<hbm>>) target_semaphore(%run_scoped3A : memref<!tpu.dma_semaphore, #tpu.memory_space<semaphore_mem>>)
      %dma_wait3A_64 = arith.constant 0 : i32
      %dma_wait3A_65 = tpu.memref_slice %arg4[%arg0, %mul3A_57, %dma_wait3A_64] : memref<2x2560x128xf32, #tpu.memory_space<hbm>> -> memref<1x160x128xf32, #tpu.memory_space<hbm>>
      %dma_wait3A_66 = tpu.memref_squeeze %dma_wait3A_65 : memref<1x160x128xf32, #tpu.memory_space<hbm>> -> memref<160x128xf32, #tpu.memory_space<hbm>>
      %dma_wait3A_67 = arith.constant 0 : i32
      %dma_wait3A_68 = tpu.memref_slice %arg4[%arg0, %mul3A_57, %dma_wait3A_67] : memref<2x2560x128xf32, #tpu.memory_space<hbm>> -> memref<1x160x128xf32, #tpu.memory_space<hbm>>
      %dma_wait3A_69 = tpu.memref_squeeze %dma_wait3A_68 : memref<1x160x128xf32, #tpu.memory_space<hbm>> -> memref<160x128xf32, #tpu.memory_space<hbm>>
      tpu.wait_dma2 semaphore(%run_scoped3A : memref<!tpu.dma_semaphore, #tpu.memory_space<semaphore_mem>>) src(%arg10 : memref<160x128xf32, #tpu.memory_space<vmem>>) dst(%dma_wait3A_69 : memref<160x128xf32, #tpu.memory_space<hbm>>)
      tpu.yield
    }) : () -> ()
    return
  }
}

module attributes {stable_mosaic.version = 14 : i64} {
  func.func @_embed_kernel(%arg0: memref<10000x128xf32, #tpu.memory_space<vmem>>, %arg1: memref<128x128xf32, #tpu.memory_space<vmem>>, %arg2: memref<1x128xf32, #tpu.memory_space<vmem>>, %arg3: memref<10000x128xf32, #tpu.memory_space<vmem>>) attributes {dimension_semantics = [], scalar_prefetch = 0 : i64, scratch_operands = 0 : i64, tpu.core_type = #tpu.core_type<tc>} {
    %get3A = arith.constant 0 : index
    %get3A_0 = arith.constant 0 : index
    %get3A_1 = vector.load %arg0[%get3A, %get3A_0] : memref<10000x128xf32, #tpu.memory_space<vmem>>, vector<10000x128xf32>
    %get3A_2 = arith.constant 0 : index
    %get3A_3 = arith.constant 0 : index
    %get3A_4 = vector.load %arg1[%get3A_2, %get3A_3] : memref<128x128xf32, #tpu.memory_space<vmem>>, vector<128x128xf32>
    %dot_general3A = arith.constant dense<0.000000e+00> : vector<10000x128xf32>
    %dot_general3A_5 = tpu.matmul %get3A_1, %get3A_4, %dot_general3A {dimension_numbers = #tpu.dot_dimension_numbers<[1], [0], [0], [1], [0, 0, 1, 1], [], []>, transpose_lhs_hint = false} : vector<10000x128xf32>, vector<128x128xf32>, vector<10000x128xf32> -> vector<10000x128xf32>
    %get3A_6 = arith.constant 0 : index
    %get3A_7 = arith.constant 0 : index
    %get3A_8 = vector.load %arg2[%get3A_6, %get3A_7] : memref<1x128xf32, #tpu.memory_space<vmem>>, vector<1x128xf32>
    %add3A = vector.broadcast %get3A_8 : vector<1x128xf32> to vector<10000x128xf32>
    %add3A_9 = arith.addf %dot_general3A_5, %add3A : vector<10000x128xf32>
    %tanh3A = math.tanh %add3A_9 : vector<10000x128xf32>
    %swap3A = arith.constant 0 : index
    %swap3A_10 = arith.constant 0 : index
    %swap3A_11 = vector.load %arg3[%swap3A, %swap3A_10] : memref<10000x128xf32, #tpu.memory_space<vmem>>, vector<10000x128xf32>
    tpu.vector_store %arg3[%swap3A, %swap3A_10], %tanh3A {strides = array<i32>} : memref<10000x128xf32, #tpu.memory_space<vmem>>, vector<10000x128xf32>,
    return
  }
}

module attributes {stable_mosaic.version = 14 : i64} {
  func.func @_front_kernel(%arg0: memref<2560x128xf32, #tpu.memory_space<vmem>>, %arg1: memref<2560x128xf32, #tpu.memory_space<vmem>>, %arg2: memref<2560x128xf32, #tpu.memory_space<vmem>>, %arg3: memref<128x128xf32, #tpu.memory_space<vmem>>, %arg4: memref<1x128xf32, #tpu.memory_space<vmem>>, %arg5: memref<128x128xf32, #tpu.memory_space<vmem>>, %arg6: memref<1x128xf32, #tpu.memory_space<vmem>>, %arg7: memref<128x128xf32, #tpu.memory_space<vmem>>, %arg8: memref<1x128xf32, #tpu.memory_space<vmem>>, %arg9: memref<128x128xf32, #tpu.memory_space<vmem>>, %arg10: memref<1x128xf32, #tpu.memory_space<vmem>>, %arg11: memref<128x128xf32, #tpu.memory_space<vmem>>, %arg12: memref<1x128xf32, #tpu.memory_space<vmem>>, %arg13: memref<128x128xf32, #tpu.memory_space<vmem>>, %arg14: memref<1x128xf32, #tpu.memory_space<vmem>>, %arg15: memref<128x256xf32, #tpu.memory_space<vmem>>, %arg16: memref<1x256xf32, #tpu.memory_space<vmem>>, %arg17: memref<256x256xf32, #tpu.memory_space<vmem>>, %arg18: memref<1x256xf32, #tpu.memory_space<vmem>>, %arg19: memref<256x128xf32, #tpu.memory_space<vmem>>, %arg20: memref<1x128xf32, #tpu.memory_space<vmem>>, %arg21: memref<128x128xf32, #tpu.memory_space<vmem>>, %arg22: memref<1x128xf32, #tpu.memory_space<vmem>>, %arg23: memref<128x128xf32, #tpu.memory_space<vmem>>, %arg24: memref<1x128xf32, #tpu.memory_space<vmem>>, %arg25: memref<128x128xf32, #tpu.memory_space<vmem>>, %arg26: memref<1x128xf32, #tpu.memory_space<vmem>>, %arg27: memref<256x256xf32, #tpu.memory_space<vmem>>, %arg28: memref<1x256xf32, #tpu.memory_space<vmem>>, %arg29: memref<256x256xf32, #tpu.memory_space<vmem>>, %arg30: memref<1x256xf32, #tpu.memory_space<vmem>>, %arg31: memref<256x128xf32, #tpu.memory_space<vmem>>, %arg32: memref<1x128xf32, #tpu.memory_space<vmem>>, %arg33: memref<128x128xf32, #tpu.memory_space<vmem>>, %arg34: memref<1x128xf32, #tpu.memory_space<vmem>>, %arg35: memref<128x128xf32, #tpu.memory_space<vmem>>, %arg36: memref<1x128xf32, #tpu.memory_space<vmem>>, %arg37: memref<128x128xf32, #tpu.memory_space<vmem>>, %arg38: memref<1x128xf32, #tpu.memory_space<vmem>>, %arg39: memref<2560x128xf32, #tpu.memory_space<vmem>>) attributes {dimension_semantics = [], scalar_prefetch = 0 : i64, scratch_operands = 0 : i64, tpu.core_type = #tpu.core_type<tc>} {
    %get3A = arith.constant 0 : index
    %get3A_0 = arith.constant 0 : index
    %get3A_1 = vector.load %arg3[%get3A, %get3A_0] : memref<128x128xf32, #tpu.memory_space<vmem>>, vector<128x128xf32>
    %get3A_2 = arith.constant 0 : index
    %get3A_3 = arith.constant 0 : index
    %get3A_4 = vector.load %arg4[%get3A_2, %get3A_3] : memref<1x128xf32, #tpu.memory_space<vmem>>, vector<1x128xf32>
    %get3A_5 = arith.constant 0 : index
    %get3A_6 = arith.constant 0 : index
    %get3A_7 = vector.load %arg5[%get3A_5, %get3A_6] : memref<128x128xf32, #tpu.memory_space<vmem>>, vector<128x128xf32>
    %get3A_8 = arith.constant 0 : index
    %get3A_9 = arith.constant 0 : index
    %get3A_10 = vector.load %arg6[%get3A_8, %get3A_9] : memref<1x128xf32, #tpu.memory_space<vmem>>, vector<1x128xf32>
    %get3A_11 = arith.constant 0 : index
    %get3A_12 = arith.constant 0 : index
    %get3A_13 = vector.load %arg7[%get3A_11, %get3A_12] : memref<128x128xf32, #tpu.memory_space<vmem>>, vector<128x128xf32>
    %get3A_14 = arith.constant 0 : index
    %get3A_15 = arith.constant 0 : index
    %get3A_16 = vector.load %arg8[%get3A_14, %get3A_15] : memref<1x128xf32, #tpu.memory_space<vmem>>, vector<1x128xf32>
    %get3A_17 = arith.constant 0 : index
    %get3A_18 = arith.constant 0 : index
    %get3A_19 = vector.load %arg9[%get3A_17, %get3A_18] : memref<128x128xf32, #tpu.memory_space<vmem>>, vector<128x128xf32>
    %get3A_20 = arith.constant 0 : index
    %get3A_21 = arith.constant 0 : index
    %get3A_22 = vector.load %arg10[%get3A_20, %get3A_21] : memref<1x128xf32, #tpu.memory_space<vmem>>, vector<1x128xf32>
    %get3A_23 = arith.constant 0 : index
    %get3A_24 = arith.constant 0 : index
    %get3A_25 = vector.load %arg11[%get3A_23, %get3A_24] : memref<128x128xf32, #tpu.memory_space<vmem>>, vector<128x128xf32>
    %get3A_26 = arith.constant 0 : index
    %get3A_27 = arith.constant 0 : index
    %get3A_28 = vector.load %arg12[%get3A_26, %get3A_27] : memref<1x128xf32, #tpu.memory_space<vmem>>, vector<1x128xf32>
    %get3A_29 = arith.constant 0 : index
    %get3A_30 = arith.constant 0 : index
    %get3A_31 = vector.load %arg13[%get3A_29, %get3A_30] : memref<128x128xf32, #tpu.memory_space<vmem>>, vector<128x128xf32>
    %get3A_32 = arith.constant 0 : index
    %get3A_33 = arith.constant 0 : index
    %get3A_34 = vector.load %arg14[%get3A_32, %get3A_33] : memref<1x128xf32, #tpu.memory_space<vmem>>, vector<1x128xf32>
    %get3A_35 = arith.constant 0 : index
    %get3A_36 = arith.constant 0 : index
    %get3A_37 = vector.load %arg15[%get3A_35, %get3A_36] : memref<128x256xf32, #tpu.memory_space<vmem>>, vector<128x256xf32>
    %get3A_38 = arith.constant 0 : index
    %get3A_39 = arith.constant 0 : index
    %get3A_40 = vector.load %arg16[%get3A_38, %get3A_39] : memref<1x256xf32, #tpu.memory_space<vmem>>, vector<1x256xf32>
    %get3A_41 = arith.constant 0 : index
    %get3A_42 = arith.constant 0 : index
    %get3A_43 = vector.load %arg17[%get3A_41, %get3A_42] : memref<256x256xf32, #tpu.memory_space<vmem>>, vector<256x256xf32>
    %get3A_44 = arith.constant 0 : index
    %get3A_45 = arith.constant 0 : index
    %get3A_46 = vector.load %arg18[%get3A_44, %get3A_45] : memref<1x256xf32, #tpu.memory_space<vmem>>, vector<1x256xf32>
    %get3A_47 = arith.constant 0 : index
    %get3A_48 = arith.constant 0 : index
    %get3A_49 = vector.load %arg19[%get3A_47, %get3A_48] : memref<256x128xf32, #tpu.memory_space<vmem>>, vector<256x128xf32>
    %get3A_50 = arith.constant 0 : index
    %get3A_51 = arith.constant 0 : index
    %get3A_52 = vector.load %arg20[%get3A_50, %get3A_51] : memref<1x128xf32, #tpu.memory_space<vmem>>, vector<1x128xf32>
    %get3A_53 = arith.constant 0 : index
    %get3A_54 = arith.constant 0 : index
    %get3A_55 = vector.load %arg21[%get3A_53, %get3A_54] : memref<128x128xf32, #tpu.memory_space<vmem>>, vector<128x128xf32>
    %get3A_56 = arith.constant 0 : index
    %get3A_57 = arith.constant 0 : index
    %get3A_58 = vector.load %arg22[%get3A_56, %get3A_57] : memref<1x128xf32, #tpu.memory_space<vmem>>, vector<1x128xf32>
    %get3A_59 = arith.constant 0 : index
    %get3A_60 = arith.constant 0 : index
    %get3A_61 = vector.load %arg23[%get3A_59, %get3A_60] : memref<128x128xf32, #tpu.memory_space<vmem>>, vector<128x128xf32>
    %get3A_62 = arith.constant 0 : index
    %get3A_63 = arith.constant 0 : index
    %get3A_64 = vector.load %arg24[%get3A_62, %get3A_63] : memref<1x128xf32, #tpu.memory_space<vmem>>, vector<1x128xf32>
    %get3A_65 = arith.constant 0 : index
    %get3A_66 = arith.constant 0 : index
    %get3A_67 = vector.load %arg25[%get3A_65, %get3A_66] : memref<128x128xf32, #tpu.memory_space<vmem>>, vector<128x128xf32>
    %get3A_68 = arith.constant 0 : index
    %get3A_69 = arith.constant 0 : index
    %get3A_70 = vector.load %arg26[%get3A_68, %get3A_69] : memref<1x128xf32, #tpu.memory_space<vmem>>, vector<1x128xf32>
    %get3A_71 = arith.constant 0 : index
    %get3A_72 = arith.constant 0 : index
    %get3A_73 = vector.load %arg27[%get3A_71, %get3A_72] : memref<256x256xf32, #tpu.memory_space<vmem>>, vector<256x256xf32>
    %get3A_74 = arith.constant 0 : index
    %get3A_75 = arith.constant 0 : index
    %get3A_76 = vector.load %arg28[%get3A_74, %get3A_75] : memref<1x256xf32, #tpu.memory_space<vmem>>, vector<1x256xf32>
    %get3A_77 = arith.constant 0 : index
    %get3A_78 = arith.constant 0 : index
    %get3A_79 = vector.load %arg29[%get3A_77, %get3A_78] : memref<256x256xf32, #tpu.memory_space<vmem>>, vector<256x256xf32>
    %get3A_80 = arith.constant 0 : index
    %get3A_81 = arith.constant 0 : index
    %get3A_82 = vector.load %arg30[%get3A_80, %get3A_81] : memref<1x256xf32, #tpu.memory_space<vmem>>, vector<1x256xf32>
    %get3A_83 = arith.constant 0 : index
    %get3A_84 = arith.constant 0 : index
    %get3A_85 = vector.load %arg31[%get3A_83, %get3A_84] : memref<256x128xf32, #tpu.memory_space<vmem>>, vector<256x128xf32>
    %get3A_86 = arith.constant 0 : index
    %get3A_87 = arith.constant 0 : index
    %get3A_88 = vector.load %arg32[%get3A_86, %get3A_87] : memref<1x128xf32, #tpu.memory_space<vmem>>, vector<1x128xf32>
    %get3A_89 = arith.constant 0 : index
    %get3A_90 = arith.constant 0 : index
    %get3A_91 = vector.load %arg33[%get3A_89, %get3A_90] : memref<128x128xf32, #tpu.memory_space<vmem>>, vector<128x128xf32>
    %get3A_92 = arith.constant 0 : index
    %get3A_93 = arith.constant 0 : index
    %get3A_94 = vector.load %arg34[%get3A_92, %get3A_93] : memref<1x128xf32, #tpu.memory_space<vmem>>, vector<1x128xf32>
    %get3A_95 = arith.constant 0 : index
    %get3A_96 = arith.constant 0 : index
    %get3A_97 = vector.load %arg35[%get3A_95, %get3A_96] : memref<128x128xf32, #tpu.memory_space<vmem>>, vector<128x128xf32>
    %get3A_98 = arith.constant 0 : index
    %get3A_99 = arith.constant 0 : index
    %get3A_100 = vector.load %arg36[%get3A_98, %get3A_99] : memref<1x128xf32, #tpu.memory_space<vmem>>, vector<1x128xf32>
    %get3A_101 = arith.constant 0 : index
    %get3A_102 = arith.constant 0 : index
    %get3A_103 = vector.load %arg37[%get3A_101, %get3A_102] : memref<128x128xf32, #tpu.memory_space<vmem>>, vector<128x128xf32>
    %get3A_104 = arith.constant 0 : index
    %get3A_105 = arith.constant 0 : index
    %get3A_106 = vector.load %arg38[%get3A_104, %get3A_105] : memref<1x128xf32, #tpu.memory_space<vmem>>, vector<1x128xf32>
    %get3A_107 = arith.constant 0 : index
    %get3A_108 = arith.constant 0 : index
    %get3A_109 = vector.load %arg0[%get3A_107, %get3A_108] : memref<2560x128xf32, #tpu.memory_space<vmem>>, vector<2560x128xf32>
    %get3A_110 = arith.constant 0 : index
    %get3A_111 = arith.constant 0 : index
    %get3A_112 = vector.load %arg1[%get3A_110, %get3A_111] : memref<2560x128xf32, #tpu.memory_space<vmem>>, vector<2560x128xf32>
    %add3A = arith.addf %get3A_109, %get3A_112 : vector<2560x128xf32>
    %dot_general3A = arith.constant dense<0.000000e+00> : vector<2560x128xf32>
    %dot_general3A_113 = tpu.matmul %add3A, %get3A_1, %dot_general3A {dimension_numbers = #tpu.dot_dimension_numbers<[1], [0], [0], [1], [0, 0, 1, 1], [], []>, transpose_lhs_hint = false} : vector<2560x128xf32>, vector<128x128xf32>, vector<2560x128xf32> -> vector<2560x128xf32>
    %add3A_114 = vector.broadcast %get3A_4 : vector<1x128xf32> to vector<2560x128xf32>
    %add3A_115 = arith.addf %dot_general3A_113, %add3A_114 : vector<2560x128xf32>
    %tanh3A = math.tanh %add3A_115 : vector<2560x128xf32>
    %dot_general3A_116 = arith.constant dense<0.000000e+00> : vector<2560x128xf32>
    %dot_general3A_117 = tpu.matmul %tanh3A, %get3A_7, %dot_general3A_116 {dimension_numbers = #tpu.dot_dimension_numbers<[1], [0], [0], [1], [0, 0, 1, 1], [], []>, transpose_lhs_hint = false} : vector<2560x128xf32>, vector<128x128xf32>, vector<2560x128xf32> -> vector<2560x128xf32>
    %add3A_118 = vector.broadcast %get3A_10 : vector<1x128xf32> to vector<2560x128xf32>
    %add3A_119 = arith.addf %dot_general3A_117, %add3A_118 : vector<2560x128xf32>
    %tanh3A_120 = math.tanh %add3A_119 : vector<2560x128xf32>
    %add3A_121 = arith.addf %tanh3A_120, %add3A : vector<2560x128xf32>
    %dot_general3A_122 = arith.constant dense<0.000000e+00> : vector<2560x128xf32>
    %dot_general3A_123 = tpu.matmul %add3A_121, %get3A_13, %dot_general3A_122 {dimension_numbers = #tpu.dot_dimension_numbers<[1], [0], [0], [1], [0, 0, 1, 1], [], []>, transpose_lhs_hint = false} : vector<2560x128xf32>, vector<128x128xf32>, vector<2560x128xf32> -> vector<2560x128xf32>
    %add3A_124 = vector.broadcast %get3A_16 : vector<1x128xf32> to vector<2560x128xf32>
    %add3A_125 = arith.addf %dot_general3A_123, %add3A_124 : vector<2560x128xf32>
    %tanh3A_126 = math.tanh %add3A_125 : vector<2560x128xf32>
    %dot_general3A_127 = arith.constant dense<0.000000e+00> : vector<2560x128xf32>
    %dot_general3A_128 = tpu.matmul %tanh3A_126, %get3A_19, %dot_general3A_127 {dimension_numbers = #tpu.dot_dimension_numbers<[1], [0], [0], [1], [0, 0, 1, 1], [], []>, transpose_lhs_hint = false} : vector<2560x128xf32>, vector<128x128xf32>, vector<2560x128xf32> -> vector<2560x128xf32>
    %add3A_129 = vector.broadcast %get3A_22 : vector<1x128xf32> to vector<2560x128xf32>
    %add3A_130 = arith.addf %dot_general3A_128, %add3A_129 : vector<2560x128xf32>
    %tanh3A_131 = math.tanh %add3A_130 : vector<2560x128xf32>
    %dot_general3A_132 = arith.constant dense<0.000000e+00> : vector<2560x128xf32>
    %dot_general3A_133 = tpu.matmul %tanh3A_131, %get3A_25, %dot_general3A_132 {dimension_numbers = #tpu.dot_dimension_numbers<[1], [0], [0], [1], [0, 0, 1, 1], [], []>, transpose_lhs_hint = false} : vector<2560x128xf32>, vector<128x128xf32>, vector<2560x128xf32> -> vector<2560x128xf32>
    %add3A_134 = vector.broadcast %get3A_28 : vector<1x128xf32> to vector<2560x128xf32>
    %add3A_135 = arith.addf %dot_general3A_133, %add3A_134 : vector<2560x128xf32>
    %tanh3A_136 = math.tanh %add3A_135 : vector<2560x128xf32>
    %add3A_137 = arith.addf %tanh3A_136, %tanh3A_126 : vector<2560x128xf32>
    %dot_general3A_138 = arith.constant dense<0.000000e+00> : vector<2560x128xf32>
    %dot_general3A_139 = tpu.matmul %add3A_137, %get3A_31, %dot_general3A_138 {dimension_numbers = #tpu.dot_dimension_numbers<[1], [0], [0], [1], [0, 0, 1, 1], [], []>, transpose_lhs_hint = false} : vector<2560x128xf32>, vector<128x128xf32>, vector<2560x128xf32> -> vector<2560x128xf32>
    %add3A_140 = vector.broadcast %get3A_34 : vector<1x128xf32> to vector<2560x128xf32>
    %add3A_141 = arith.addf %dot_general3A_139, %add3A_140 : vector<2560x128xf32>
    %tanh3A_142 = math.tanh %add3A_141 : vector<2560x128xf32>
    %get3A_143 = arith.constant 0 : index
    %get3A_144 = arith.constant 0 : index
    %get3A_145 = vector.load %arg2[%get3A_143, %get3A_144] : memref<2560x128xf32, #tpu.memory_space<vmem>>, vector<2560x128xf32>
    %dot_general3A_146 = arith.constant dense<0.000000e+00> : vector<2560x256xf32>
    %dot_general3A_147 = tpu.matmul %get3A_145, %get3A_37, %dot_general3A_146 {dimension_numbers = #tpu.dot_dimension_numbers<[1], [0], [0], [1], [0, 0, 1, 1], [], []>, transpose_lhs_hint = false} : vector<2560x128xf32>, vector<128x256xf32>, vector<2560x256xf32> -> vector<2560x256xf32>
    %add3A_148 = vector.broadcast %get3A_40 : vector<1x256xf32> to vector<2560x256xf32>
    %add3A_149 = arith.addf %dot_general3A_147, %add3A_148 : vector<2560x256xf32>
    %tanh3A_150 = math.tanh %add3A_149 : vector<2560x256xf32>
    %dot_general3A_151 = arith.constant dense<0.000000e+00> : vector<2560x256xf32>
    %dot_general3A_152 = tpu.matmul %tanh3A_150, %get3A_43, %dot_general3A_151 {dimension_numbers = #tpu.dot_dimension_numbers<[1], [0], [0], [1], [0, 0, 1, 1], [], []>, transpose_lhs_hint = false} : vector<2560x256xf32>, vector<256x256xf32>, vector<2560x256xf32> -> vector<2560x256xf32>
    %add3A_153 = vector.broadcast %get3A_46 : vector<1x256xf32> to vector<2560x256xf32>
    %add3A_154 = arith.addf %dot_general3A_152, %add3A_153 : vector<2560x256xf32>
    %tanh3A_155 = math.tanh %add3A_154 : vector<2560x256xf32>
    %dot_general3A_156 = arith.constant dense<0.000000e+00> : vector<2560x128xf32>
    %dot_general3A_157 = tpu.matmul %tanh3A_155, %get3A_49, %dot_general3A_156 {dimension_numbers = #tpu.dot_dimension_numbers<[1], [0], [0], [1], [0, 0, 1, 1], [], []>, transpose_lhs_hint = false} : vector<2560x256xf32>, vector<256x128xf32>, vector<2560x128xf32> -> vector<2560x128xf32>
    %slice3A = vector.extract_strided_slice %get3A_49 {offsets = [0, 0], sizes = [128, 128], strides = [1, 1]} : vector<256x128xf32> to vector<128x128xf32>
    %dot_general3A_158 = arith.constant dense<0.000000e+00> : vector<2560x128xf32>
    %dot_general3A_159 = tpu.matmul %get3A_145, %slice3A, %dot_general3A_158 {dimension_numbers = #tpu.dot_dimension_numbers<[1], [0], [0], [1], [0, 0, 1, 1], [], []>, transpose_lhs_hint = false} : vector<2560x128xf32>, vector<128x128xf32>, vector<2560x128xf32> -> vector<2560x128xf32>
    %add3A_160 = arith.addf %dot_general3A_157, %dot_general3A_159 : vector<2560x128xf32>
    %add3A_161 = vector.broadcast %get3A_52 : vector<1x128xf32> to vector<2560x128xf32>
    %add3A_162 = arith.addf %add3A_160, %add3A_161 : vector<2560x128xf32>
    %tanh3A_163 = math.tanh %add3A_162 : vector<2560x128xf32>
    %dot_general3A_164 = arith.constant dense<0.000000e+00> : vector<2560x128xf32>
    %dot_general3A_165 = tpu.matmul %tanh3A_163, %get3A_55, %dot_general3A_164 {dimension_numbers = #tpu.dot_dimension_numbers<[1], [0], [0], [1], [0, 0, 1, 1], [], []>, transpose_lhs_hint = false} : vector<2560x128xf32>, vector<128x128xf32>, vector<2560x128xf32> -> vector<2560x128xf32>
    %add3A_166 = vector.broadcast %get3A_58 : vector<1x128xf32> to vector<2560x128xf32>
    %add3A_167 = arith.addf %dot_general3A_165, %add3A_166 : vector<2560x128xf32>
    %tanh3A_168 = math.tanh %add3A_167 : vector<2560x128xf32>
    %dot_general3A_169 = arith.constant dense<0.000000e+00> : vector<2560x128xf32>
    %dot_general3A_170 = tpu.matmul %tanh3A_168, %get3A_61, %dot_general3A_169 {dimension_numbers = #tpu.dot_dimension_numbers<[1], [0], [0], [1], [0, 0, 1, 1], [], []>, transpose_lhs_hint = false} : vector<2560x128xf32>, vector<128x128xf32>, vector<2560x128xf32> -> vector<2560x128xf32>
    %add3A_171 = vector.broadcast %get3A_64 : vector<1x128xf32> to vector<2560x128xf32>
    %add3A_172 = arith.addf %dot_general3A_170, %add3A_171 : vector<2560x128xf32>
    %tanh3A_173 = math.tanh %add3A_172 : vector<2560x128xf32>
    %add3A_174 = arith.addf %tanh3A_173, %tanh3A_163 : vector<2560x128xf32>
    %dot_general3A_175 = arith.constant dense<0.000000e+00> : vector<2560x128xf32>
    %dot_general3A_176 = tpu.matmul %add3A_174, %get3A_67, %dot_general3A_175 {dimension_numbers = #tpu.dot_dimension_numbers<[1], [0], [0], [1], [0, 0, 1, 1], [], []>, transpose_lhs_hint = false} : vector<2560x128xf32>, vector<128x128xf32>, vector<2560x128xf32> -> vector<2560x128xf32>
    %add3A_177 = vector.broadcast %get3A_70 : vector<1x128xf32> to vector<2560x128xf32>
    %add3A_178 = arith.addf %dot_general3A_176, %add3A_177 : vector<2560x128xf32>
    %tanh3A_179 = math.tanh %add3A_178 : vector<2560x128xf32>
    %concatenate3A = tpu.concatenate %tanh3A_179, %tanh3A_142 in 1 : vector<2560x128xf32>, vector<2560x128xf32> -> vector<2560x256xf32>
    %dot_general3A_180 = arith.constant dense<0.000000e+00> : vector<2560x256xf32>
    %dot_general3A_181 = tpu.matmul %concatenate3A, %get3A_73, %dot_general3A_180 {dimension_numbers = #tpu.dot_dimension_numbers<[1], [0], [0], [1], [0, 0, 1, 1], [], []>, transpose_lhs_hint = false} : vector<2560x256xf32>, vector<256x256xf32>, vector<2560x256xf32> -> vector<2560x256xf32>
    %add3A_182 = vector.broadcast %get3A_76 : vector<1x256xf32> to vector<2560x256xf32>
    %add3A_183 = arith.addf %dot_general3A_181, %add3A_182 : vector<2560x256xf32>
    %tanh3A_184 = math.tanh %add3A_183 : vector<2560x256xf32>
    %dot_general3A_185 = arith.constant dense<0.000000e+00> : vector<2560x256xf32>
    %dot_general3A_186 = tpu.matmul %tanh3A_184, %get3A_79, %dot_general3A_185 {dimension_numbers = #tpu.dot_dimension_numbers<[1], [0], [0], [1], [0, 0, 1, 1], [], []>, transpose_lhs_hint = false} : vector<2560x256xf32>, vector<256x256xf32>, vector<2560x256xf32> -> vector<2560x256xf32>
    %add3A_187 = vector.broadcast %get3A_82 : vector<1x256xf32> to vector<2560x256xf32>
    %add3A_188 = arith.addf %dot_general3A_186, %add3A_187 : vector<2560x256xf32>
    %tanh3A_189 = math.tanh %add3A_188 : vector<2560x256xf32>
    %add3A_190 = arith.addf %tanh3A_189, %concatenate3A : vector<2560x256xf32>
    %dot_general3A_191 = arith.constant dense<0.000000e+00> : vector<2560x128xf32>
    %dot_general3A_192 = tpu.matmul %add3A_190, %get3A_85, %dot_general3A_191 {dimension_numbers = #tpu.dot_dimension_numbers<[1], [0], [0], [1], [0, 0, 1, 1], [], []>, transpose_lhs_hint = false} : vector<2560x256xf32>, vector<256x128xf32>, vector<2560x128xf32> -> vector<2560x128xf32>
    %add3A_193 = vector.broadcast %get3A_88 : vector<1x128xf32> to vector<2560x128xf32>
    %add3A_194 = arith.addf %dot_general3A_192, %add3A_193 : vector<2560x128xf32>
    %tanh3A_195 = math.tanh %add3A_194 : vector<2560x128xf32>
    %dot_general3A_196 = arith.constant dense<0.000000e+00> : vector<2560x128xf32>
    %dot_general3A_197 = tpu.matmul %tanh3A_195, %get3A_91, %dot_general3A_196 {dimension_numbers = #tpu.dot_dimension_numbers<[1], [0], [0], [1], [0, 0, 1, 1], [], []>, transpose_lhs_hint = false} : vector<2560x128xf32>, vector<128x128xf32>, vector<2560x128xf32> -> vector<2560x128xf32>
    %add3A_198 = vector.broadcast %get3A_94 : vector<1x128xf32> to vector<2560x128xf32>
    %add3A_199 = arith.addf %dot_general3A_197, %add3A_198 : vector<2560x128xf32>
    %tanh3A_200 = math.tanh %add3A_199 : vector<2560x128xf32>
    %dot_general3A_201 = arith.constant dense<0.000000e+00> : vector<2560x128xf32>
    %dot_general3A_202 = tpu.matmul %tanh3A_200, %get3A_97, %dot_general3A_201 {dimension_numbers = #tpu.dot_dimension_numbers<[1], [0], [0], [1], [0, 0, 1, 1], [], []>, transpose_lhs_hint = false} : vector<2560x128xf32>, vector<128x128xf32>, vector<2560x128xf32> -> vector<2560x128xf32>
    %add3A_203 = vector.broadcast %get3A_100 : vector<1x128xf32> to vector<2560x128xf32>
    %add3A_204 = arith.addf %dot_general3A_202, %add3A_203 : vector<2560x128xf32>
    %tanh3A_205 = math.tanh %add3A_204 : vector<2560x128xf32>
    %add3A_206 = arith.addf %tanh3A_205, %tanh3A_195 : vector<2560x128xf32>
    %dot_general3A_207 = arith.constant dense<0.000000e+00> : vector<2560x128xf32>
    %dot_general3A_208 = tpu.matmul %add3A_206, %get3A_103, %dot_general3A_207 {dimension_numbers = #tpu.dot_dimension_numbers<[1], [0], [0], [1], [0, 0, 1, 1], [], []>, transpose_lhs_hint = false} : vector<2560x128xf32>, vector<128x128xf32>, vector<2560x128xf32> -> vector<2560x128xf32>
    %add3A_209 = vector.broadcast %get3A_106 : vector<1x128xf32> to vector<2560x128xf32>
    %add3A_210 = arith.addf %dot_general3A_208, %add3A_209 : vector<2560x128xf32>
    %tanh3A_211 = math.tanh %add3A_210 : vector<2560x128xf32>
    %swap3A = arith.constant 0 : index
    %swap3A_212 = arith.constant 0 : index
    %swap3A_213 = vector.load %arg39[%swap3A, %swap3A_212] : memref<2560x128xf32, #tpu.memory_space<vmem>>, vector<2560x128xf32>
    tpu.vector_store %arg39[%swap3A, %swap3A_212], %tanh3A_211 {strides = array<i32>} : memref<2560x128xf32, #tpu.memory_space<vmem>>, vector<2560x128xf32>,
    return
  }
}

</mosaic_0001>

<sc_bundles>
// kernel: kernel.10.cloned.1.call-start
scs
__scs_entry_jumppad:
0x0: {  	(pc) =	sbr.rel $0x88, $3  }
0x1: {  	(tag) =	ssettag $0x0;
	lr =	simm.s32 $0x1  }
0x2: {  	[smem:$0x3F55] =	sst lr;
	_ =	strace $0xD0000000  }
0x3: {  	_ = 	snop  }
0x4: {  	_ = 	snop  }
0x5: {  	_ = 	snop  }
0x6: {  	_ = 	snop  }
0x7: {  	_ = 	snop  }
__scs_overlays_trampoline_lowered:
0x8: {  	[smem:$0x3F64] =	sst s0  }
0x9: {  	[smem:$0x3F65] =	sst s1  }
0xa: {  	[smem:$0x3F66] =	sst s2  }
0xb: {  	[smem:$0x3F67] =	sst s3  }
0xc: {  	[smem:$0x3F68] =	sst s4  }
0xd: {  	[smem:$0x3F69] =	sst s5  }
0xe: {  	[smem:$0x3F6A] =	sst s6  }
0xf: {  	[smem:$0x3F6B] =	sst s7  }
0x10: {  	[smem:$0x3F6C] =	sst s8  }
0x11: {  	[smem:$0x3F6D] =	sst s9;
	s0 =	simm.s32 @!p0 $0x0  }
0x12: {  	s1 =	sld [smem:$0x3F53];
	s0 =	simm.s32 @p0 $0x1  }
0x13: {  	[smem:$0x3F6E] =	sst s0;
	s0 =	simm.s32 @!p1 $0x0  }
0x14: {  	s2 =	sld [smem:$0x3F52];
	s0 =	simm.s32 @p1 $0x1  }
0x15: {  	[smem:$0x3F6F] =	sst s0;
	s0 =	simm.s32 @!p2 $0x0  }
0x16: {  	s3 =	sld [smem:$0x3FDB];
	s0 =	simm.s32 @p2 $0x1  }
0x17: {  	s4 =	simm.s32 $0x1BF5;
	[smem:$0x3F71] =	sst s0  }
0x18: {  	s0 =	sld [smem:$0x3F54];
	_ =	swait.ge [sflag:s4], $0x0  }
0x19: {  	s7 =	sld [smem:$0x3F55]  }
0x1a: {  	s8 =	sadd.s32 $0xFFFFE003, lr  }
0x1b: {  	s9 =	sadd.s32 $0xFFFFFEF7, lr;
	s5 =	simm.s32 $0xFFFFFFFF;
	p2 =	slt.u32 s8, $0xFFFFF086  }
0x1c: {  	p1 =	slt.u32 s9, $0xF7A;
	s5 =	simm.s32 @!p2 $0x0  }
0x1d: {  	s5 =	simm.s32 @p1 $0x1;
	p0 =	seq.s32 s7, s2  }
0x1e: {  	s7 =	smul.u32 @!p0 $0xF7A, s2;
	p2 =	seq.s32 @!p0 s5, $0x0  }
0x1f: {  	s9 =	smul.u32 $0xF7A, s1;
	s8 =	simm.s32 @!p0 $0x1BF5;
	p2 =	por !p2, p0  }
0x20: {  	[sflag:s8] =	ssyncset.s32 @!p0 $0xFFFFF086;
	s6 =	sadd.s32 @!p0 s3, s7;
	s7 =	simm.s32 @!p0 $0x108  }
0x21: {  	s3 =	sadd.s32 s3, s9;
	s6 =	sadd.s32 @!p0 $0x88, s6;
	s7 =	simm.s32 @p2 $0x1082  }
0x22: {  	[simem:s7], [sflag:s8] =	dma.local @!p0 [hbm:s6], $0xF7A  }
0x23: {  	s9 =	sor.u32 $0xD0000000, s2;
	s6 =	simm.s32 $0x108;
	_ =	swait.ge @!p0 [sflag:s8], $0x0  }
0x24: {  	s3 =	sadd.s32 $0x88, s3;
	s6 =	simm.s32 @!p1 $0x1082;
	[sflag:s4] =	ssyncset.s32 $0xFFFFF086  }
0x25: {  	[simem:s6], [sflag:s4] =	dma.local [hbm:s3], $0xF7A  }
0x26: {  	[smem:$0x3F55] =	sst s1;
	(tag) =	ssettag s2;
	_ =	strace s9  }
0x27: {  	s1 =	sld [smem:$0x3F65]  }
0x28: {  	s2 =	sld [smem:$0x3F66]  }
0x29: {  	s4 =	sld [smem:$0x3F68]  }
0x2a: {  	p0 =	seq.s32 s5, $0x0;
	s5 =	sld [smem:$0x3F69]  }
0x2b: {  	s6 =	sld [smem:$0x3F6A]  }
0x2c: {  	s7 =	sld [smem:$0x3F6B]  }
0x2d: {  	s3 =	simm.s32 $0x108;
	s8 =	sld [smem:$0x3F6C]  }
0x2e: {  	s3 =	simm.s32 @!p0 $0x1082;
	s9 =	sld [smem:$0x3F6D]  }
0x2f: {  	lr =	sadd.s32 s0, s3;
	s0 =	sld [smem:$0x3F64]  }
0x30: {  	s3 =	sld [smem:$0x3F67]  }
0x31: {  	[smem:$0x3F70] =	sst s10  }
0x32: {  	s10 =	sld [smem:$0x3F6E];
	_ =	sdelay $0x3  }
0x33: {  	p0 =	seq.s32 s10, $0x1;
	s10 =	sld [smem:$0x3F70];
	_ =	sdelay $0x3  }
0x34: {  	[smem:$0x3F70] =	sst s10  }
0x35: {  	s10 =	sld [smem:$0x3F6F];
	_ =	sdelay $0x3  }
0x36: {  	p1 =	seq.s32 s10, $0x1;
	s10 =	sld [smem:$0x3F70];
	_ =	sdelay $0x3  }
0x37: {  	[smem:$0x3F70] =	sst s10  }
0x38: {  	s10 =	sld [smem:$0x3F71]  }
0x39: {  	_ = 	snop;
	(pc) =	sbr.ind lr, $3  }
0x3a: {  	_ = 	snop  }
0x3b: {  	_ = 	snop  }
0x3c: {  	p2 =	seq.s32 s10, $0x1;
	s10 =	sld [smem:$0x3F70]  }
0x3d: {  	_ =	shalt  }
0x3e: {  	_ =	shalt  }
0x3f: {  	_ =	shalt  }
0x40: {  	_ =	shalt  }
0x41: {  	_ =	shalt  }
0x42: {  	_ =	shalt  }
0x43: {  	_ =	shalt  }
0x44: {  	_ =	shalt  }
0x45: {  	_ =	shalt  }
0x46: {  	_ =	shalt  }
0x47: {  	_ =	shalt  }
0x48: {  	_ =	shalt  }
0x49: {  	_ =	shalt  }
0x4a: {  	_ =	shalt  }
0x4b: {  	_ =	shalt  }
0x4c: {  	_ =	shalt  }
0x4d: {  	_ =	shalt  }
0x4e: {  	_ =	shalt  }
0x4f: {  	_ =	shalt  }
0x50: {  	_ =	shalt  }
0x51: {  	_ =	shalt  }
0x52: {  	_ =	shalt  }
0x53: {  	_ =	shalt  }
0x54: {  	_ =	shalt  }
0x55: {  	_ =	shalt  }
0x56: {  	_ =	shalt  }
0x57: {  	_ =	shalt  }
0x58: {  	_ =	shalt  }
0x59: {  	_ =	shalt  }
0x5a: {  	_ =	shalt  }
0x5b: {  	_ =	shalt  }
0x5c: {  	_ =	shalt  }
0x5d: {  	_ =	shalt  }
0x5e: {  	_ =	shalt  }
0x5f: {  	_ =	shalt  }
0x60: {  	_ =	shalt  }
0x61: {  	_ =	shalt  }
0x62: {  	_ =	shalt  }
0x63: {  	_ =	shalt  }
0x64: {  	_ =	shalt  }
0x65: {  	_ =	shalt  }
0x66: {  	_ =	shalt  }
0x67: {  	_ =	shalt  }
0x68: {  	_ =	shalt  }
0x69: {  	_ =	shalt  }
0x6a: {  	_ =	shalt  }
0x6b: {  	_ =	shalt  }
0x6c: {  	_ =	shalt  }
0x6d: {  	_ =	shalt  }
0x6e: {  	_ =	shalt  }
0x6f: {  	_ =	shalt  }
0x70: {  	_ =	shalt  }
0x71: {  	_ =	shalt  }
0x72: {  	_ =	shalt  }
0x73: {  	_ =	shalt  }
0x74: {  	_ =	shalt  }
0x75: {  	_ =	shalt  }
0x76: {  	_ =	shalt  }
0x77: {  	_ =	shalt  }
0x78: {  	_ =	shalt  }
0x79: {  	_ =	shalt  }
0x7a: {  	_ =	shalt  }
0x7b: {  	_ =	shalt  }
0x7c: {  	_ =	shalt  }
0x7d: {  	_ =	shalt  }
0x7e: {  	_ =	shalt  }
0x7f: {  	_ =	shalt  }
0x80: {  	_ =	shalt  }
0x81: {  	_ =	shalt  }
0x82: {  	_ =	shalt  }
0x83: {  	_ =	shalt  }
0x84: {  	_ =	shalt  }
0x85: {  	_ =	shalt  }
0x86: {  	_ =	shalt  }
0x87: {  	_ =	shalt  }
.Lfunc_end0:
.L_simem_size_0:
called_computation.1_lowered:
.L_overlay_start_0:
0x88: {  	s2 =	sld [smem:$0x3FD9]  }
0x89: {  	s3 =	sld [smem:$0x3FFE];
	_ =	sdelay $0x1  }
0x8a: {  	s1 =	srdreg.scid  }
0x8b: {  	s0 =	sand.u32 $0x1, s1  }
0x8c: {  	s17 =	sshll.u32 s0, $0xA;
	s2 =	sadd.s32 s3, s2  }
0x8d: {  	s2 =	sadd.s32 s2, s17  }
0x8e: {  	[smem:$0x3F7C] =	sst s2  }
0x8f: {  	_ = 	snop  }
0x90: {  	s2 =	sld [smem:$0x3FD0];
	(tm) =	ssettm $0x1  }
0x91: {  	s18 =	sld [smem:$0x3FFB];
	_ =	sdelay $0x3  }
0x92: {  	_ =	strace s18  }
0x93: {  	s3 =	sld [smem:$0x3FFC];
	_ =	sdelay $0x3  }
0x94: {  	_ =	strace s3  }
0x95: {  	s3 =	sld [smem:$0x3FFD];
	_ =	sdelay $0x3  }
0x96: {  	_ =	strace s3  }
0x97: {  	_ =	strace $0x8FFFFFFF  }
0x98: {  	s19 =	sld [smem:$0x3FDB];
	_ =	sdelay $0x1  }
0x99: {  	s4 =	simm.s32 $_scs_section_size  }
0x9a: {  	s5 =	simm.s32 $_size__tile_overlayer_lowered;
	s6 =	simm.s32 $_tile_overlayer_lowered  }
0x9b: {  	s22 =	simm.s32 $0x1BFF;
	s21 =	sshll.u32 s6, $0x1;
	s3 =	sadd.s32 s4, s19  }
0x9c: {  	s7 =	simm.s32 $0x0;
	s20 =	sshll.u32 s5, $0x1;
	s5 =	sadd.s32 s21, s3  }
0x9d: {  	[timem:s7], [sflag:s22] =	dma.local [hbm:s5], s20  }
0x9e: {  	_ =	swait.ge [sflag:s22], s20  }
0x9f: {  	s4 =	ssub.s32 $0x0, s20;
	[sflag:s22] =	ssyncset.done $0x0  }
0xa0: {  	[sflag:s22] =	ssyncadd.s32 s4;
	_ =	sdelay $0x1  }
0xa1: {  	s23 =	simm.s32 $0x1B8B  }
0xa2: {  	_ =	swait.ge [sflag:s23], $0x1  }
0xa3: {  	[sflag:s23] =	ssyncset.done $0x0  }
0xa4: {  	s25 =	simm.s32 $0x1B8E;
	s24 =	sld [smem:$0x3FFE];
	[sflag:s23] =	ssyncadd.s32 $0xFFFFFFFF  }
0xa5: {  	s26 =	simm.s32 $execute0_lowered;
	[smem:$0x3FD2] =	sst s25  }
0xa6: {  	s5 =	sshll.u32 s26, $0x1;
	_ =	strace $0x80000049;
	[dreg:$0x1] =	wrdreg $0xFFFFFFFF  }
0xa7: {  	s28 =	simm.s32 $_size_execute0_lowered;
	s3 =	sadd.s32 s3, s5;
	[dreg:$0x0] =	wrdreg $0x0  }
0xa8: {  	s5 =	sshll.u32 s28, $0x1;
	[dreg:$0x2] =	wrdreg s3  }
0xa9: {  	[dreg:$0x3] =	wrdreg s5  }
0xaa: {  	[dreg:$0x4] =	wrdreg $0xC0  }
0xab: {  	_ =	task [dreg:s7], $0x5FFFF  }
0xac: {  	[dreg:$0x1] =	wrdreg $0xFFFFFFFF  }
0xad: {  	[dreg:$0x0] =	wrdreg $0x60  }
0xae: {  	[dreg:$0x2] =	wrdreg s24  }
0xaf: {  	[dreg:$0x3] =	wrdreg s2  }
0xb0: {  	[dreg:$0x4] =	wrdreg $0x10C000  }
0xb1: {  	[dreg:$0x5] =	wrdreg $0x15C000  }
0xb2: {  	[dreg:$0x6] =	wrdreg $0x9  }
0xb3: {  	_ =	task.clear_ibuf [dreg:s7], $0x7FFFF;
	_ =	strace $0x90000049  }
0xb4: {  	s29 =	simm.s32 $0x9;
	_ =	strace $0x8000004B  }
0xb5: {  	_ =	swait.ge [sflag:s29], $0x1  }
0xb6: {  	[sflag:s29] =	ssyncadd.s32 $0xFFFFFFFF  }
0xb7: {  	_ =	strace $0x9000004B  }
0xb8: {  	_ =	sfence  }
0xb9: {  	s30 =	sld [smem:$0x0];
	_ =	sdelay $0x2  }
0xba: {  	s31 =	sshll.u32 s1, $0xD;
	s1 =	sshrl.u32 s1, $0x2  }
0xbb: {  	s3 =	sand.u32 $0x4000, s31;
	s1 =	sadd.s32 s1, s30  }
0xbc: {  	s0 =	sor.u32 s3, s0;
	s1 =	sshll.u32 s1, $0x11  }
0xbd: {  	s0 =	sor.u32 s1, s0  }
0xbe: {  	s0 =	sadd.s32 $0x8F2B, s0  }
0xbf: {  	[sflag:s0] =	ssyncadd.remote.s32 $0x1  }
0xc0: {  	_ =	sfence.sel $0xFFFF  }
0xc1: {  	[dreg:$0x0] =	wrdreg $0xFFFFFFFF;
	(pc) =	sbr.abs _section_cstart, $3  }
0xc2: {  	[dreg:$0x1] =	wrdreg $0xFFFFFFFF  }
0xc3: {  	_ =	task.clear_ibuf [dreg:s7], $0x2FFFF;
	_ =	strace $0x9FFFFFFF  }
0xc4: {  	(tm) =	ssettm $0x7FFFFFFF  }
0xc5: {  	_ =	shalt  }
tec
execute0_lowered:
.L_overlay_start_1:
0x0: {  	(tag) =	ssettag $0x1  }
0x1: {  	s5 =	rddreg [dreg:$0x0]  }
0x2: {  	s9 =	rddreg [dreg:$0x1]  }
0x3: {  	s1 =	rddreg [dreg:$0x2]  }
0x4: {  	s3 =	rddreg [dreg:$0x3]  }
0x5: {  	s0 =	rddreg [dreg:$0x4]  }
0x6: {  	s6 =	srdreg.scid;
	s4 =	simm.s32 $0x0;
	s2 =	stileid.u32  }
0x7: {  	s14 =	simm.s32 $0x80;
	s15 =	simm.s32 $0x1400;
	s16 =	simm.s32 $0x3C00  }
0x8: {  	s17 =	simm.s32 $0x1480;
	s18 =	simm.s32 $0x7C00;
	s19 =	simm.s32 $0x1  }
0x9: {  	s20 =	simm.s32 $0x2;
	s21 =	simm.s32 $0x3;
	s22 =	simm.s32 $0x4  }
0xa: {  	s23 =	simm.s32 $0x3B00;
	s24 =	simm.s32 $0x3B80;
	s25 =	simm.s32 $0x0  }
0xb: {  	s6 =	sand.u32 $0x1, s6;
	[smem:$0x7FF] =	sst s4;
	s8 =	smul.u32 $0x5000, s2  }
0xc: {  	s30 =	sshll.u32 s2, $0x6;
	s7 =	sshll.u32 s6, $0x4;
	_ =	strace $0x8000004A  }
0xd: {  	s11 =	ssub.s32 $0x2, s6;
	s6 =	smul.u32 $0x50000, s6;
	s7 =	sor.u32 s2, s7  }
0xe: {  	s10 =	sshrl.u32 s8, $0x3;
	s12 =	sshrl.u32 s11, $0x1;
	s29 =	sadd.s32 s8, s1  }
0xf: {  	s7 =	smul.u32 $0x280, s7;
	s10 =	sadd.s32 s10, s5;
	s11 =	ssub.s32 s11, s12  }
0x10: {  	s13 =	sadd.s32 s8, s6;
	s6 =	sor.u32 $0x1C05, s30;
	s8 =	sadd.s32 s8, s3  }
0x11: {  	s12 =	simm.s32 $0x5;
	s31 =	sshrl.u32 s13, $0x3;
	s13 =	simm.s32 $0xBC00  }
0x12: {  	s7 =	sadd.s32 s7, s5;
	s5 =	sadd.s32 $0x14400, s10;
	s9 =	sadd.s32 s9, s31  }
0x13: {  	v0 =	vimm.f32 $0.0e+00;
	s10 =	smax.u32 s11, $0x1;
	s11 =	sshrl.u32 s29, $0x3;
	s7 =	sadd.s32 $0xF400, s7  }
.LBB2_1:
0x14: {  	[spmem:s11], [sflag:s6] =	dma.local [hbm:s5], $0xA00  }
0x15: {  	_ =	swait.ge [sflag:s12], $0xA00  }
0x16: {  	[sflag:s12] =	ssyncset.done $0x0  }
0x17: {  	[sflag:s12] =	ssyncadd.s32 $0xFFFFF600  }
0x18: {  	[tilespmem:s4], [sflag:$0x5] =	stream.linear.gather [hbm4b:s7+s4], $0x1400, $0x38;
	[tilespmem:$0x1AC00] =	vst v63  }
0x19: {  	_ =	swait.ge [sflag:s12], $0x1400  }
0x1a: {  	[sflag:s12] =	ssyncset.done $0x0  }
0x1b: {  	s26 =	simm.s32 $0x70;
	s28 =	simm.s32 $0x3C0;
	[sflag:s12] =	ssyncadd.s32 $0xFFFFEC00  }
.LBB2_2:
0x1c: {  	p0 =	sne.s32 s28, $0x13FC0;
	[tilespmem:s26+$0xBC00] =	vst v0  }
0x1d: {  	[tilespmem:s26+$0xBB90] =	vst v0  }
0x1e: {  	[tilespmem:s26+$0xBBA0] =	vst v0  }
.Ltmp0:
0x1f: {  	[tilespmem:s26+$0xBBB0] =	vst v0;
	(pc) =	sbr.rel @p0 .LBB2_2-.Ltmp0, $4  }
0x20: {  	[tilespmem:s26+$0xBBC0] =	vst v0  }
0x21: {  	[tilespmem:s26+$0xBBD0] =	vst v0  }
0x22: {  	[tilespmem:s26+$0xBBE0] =	vst v0  }
0x23: {  	[tilespmem:s26+$0xBBF0] =	vst v0;
	s26 =	sshra.s32 s28, $0x2;
	s28 =	sadd.s32 $0x200, s28  }
0x24: {  	[tilespmem:s26+$0xBC00] =	vst v0  }
0x25: {  	[tilespmem:s26+$0xBB90] =	vst v0  }
0x26: {  	[tilespmem:s26+$0xBBA0] =	vst v0  }
0x27: {  	[tilespmem:s26+$0xBBB0] =	vst v0  }
0x28: {  	[tilespmem:s26+$0xBBC0] =	vst v0  }
0x29: {  	[tilespmem:s26+$0xBBD0] =	vst v0  }
0x2a: {  	[tilespmem:s26+$0xBBE0] =	vst v0  }
0x2b: {  	[tilespmem:s26+$0xBBF0] =	vst v0  }
0x2c: {  	[spmem:s8] =	stream.linear.scatter [tilespmem:s13], [sflag:$0x5], $0x5000, $0x38;
	[tilespmem:$0x1AC00] =	vst v63  }
0x2d: {  	_ =	swait.ge [sflag:s12], $0x5000  }
0x2e: {  	[sflag:s12] =	ssyncset.done $0x0  }
0x2f: {  	s26 =	simm.s32 $0x0;
	[sflag:s12] =	ssyncadd.s32 $0xFFFFB000  }
0x30: {  	v1 =	vld [tilespmem:s26+$0x70]  }
0x31: {  	v2 =	vld [tilespmem:s26+$0x0];
	_ =	sdelay $0x1  }
0x32: {  	v3 =	vld [tilespmem:s26+$0x10]  }
0x33: {  	v6 =	vld [tilespmem:s26+$0x40]  }
0x34: {  	v7 =	vshrl.u32 v1, $0xD  }
0x35: {  	v4 =	vld [tilespmem:s26+$0x20];
	v9 =	vand.u32 $0x1FFF, v2;
	[tilespmem:s26+$0x2870] =	vst v7  }
0x36: {  	v2 =	vshrl.u32 v2, $0xD;
	[tilespmem:s26+$0x1400] =	vst v9  }
0x37: {  	v5 =	vld [tilespmem:s26+$0x30];
	v62 =	vand.u32 $0x1FFF, v3;
	[tilespmem:s26+$0x2800] =	vst v2  }
0x38: {  	v8 =	vld [tilespmem:s26+$0x50];
	v63 =	vand.u32 $0x1FFF, v6;
	[tilespmem:s26+$0x1410] =	vst v62  }
0x39: {  	v7 =	vld [tilespmem:s26+$0x60];
	v2 =	vshrl.u32 v3, $0xD;
	[tilespmem:s26+$0x1440] =	vst v63  }
0x3a: {  	v3 =	vand.u32 $0x1FFF, v4;
	[tilespmem:s26+$0x2810] =	vst v2  }
0x3b: {  	v2 =	vshrl.u32 v4, $0xD;
	[tilespmem:s26+$0x1420] =	vst v3  }
0x3c: {  	v1 =	vand.u32 $0x1FFF, v1;
	v3 =	vand.u32 $0x1FFF, v5;
	[tilespmem:s26+$0x2820] =	vst v2  }
0x3d: {  	v6 =	vshrl.u32 v6, $0xD;
	v4 =	vshrl.u32 v8, $0xD;
	v2 =	vshrl.u32 v5, $0xD;
	[tilespmem:s26+$0x1430] =	vst v3  }
0x3e: {  	s28 =	simm.s32 $0x80;
	s29 =	simm.s32 $0x400;
	v5 =	vand.u32 $0x1FFF, v8;
	[tilespmem:s26+$0x2830] =	vst v2;
	v3 =	vand.u32 $0x1FFF, v7;
	v2 =	vshrl.u32 v7, $0xD  }
.LBB2_4:
0x3f: {  	p0 =	sne.s32 s29, $0x4E00;
	v7 =	vld [tilespmem:s28+$0x70];
	[tilespmem:s26+$0x2840] =	vst v6  }
0x40: {  	v6 =	vld [tilespmem:s28+$0x0];
	[tilespmem:s26+$0x1450] =	vst v5  }
0x41: {  	v5 =	vld [tilespmem:s28+$0x10];
	[tilespmem:s26+$0x2850] =	vst v4  }
0x42: {  	v4 =	vld [tilespmem:s28+$0x20];
	[tilespmem:s26+$0x1460] =	vst v3  }
0x43: {  	v3 =	vld [tilespmem:s28+$0x30];
	[tilespmem:s26+$0x2860] =	vst v2  }
0x44: {  	v2 =	vld [tilespmem:s28+$0x40];
	v8 =	vshrl.u32 v7, $0xD;
	[tilespmem:s26+$0x1470] =	vst v1;
	v1 =	vand.u32 $0x1FFF, v7;
	s26 =	smov.u32 s28  }
0x45: {  	v7 =	vand.u32 $0x1FFF, v6;
	v6 =	vshrl.u32 v6, $0xD;
	v9 =	vld [tilespmem:s26+$0x50];
	[tilespmem:s26+$0x2870] =	vst v8  }
0x46: {  	[tilespmem:s26+$0x1400] =	vst v7;
	v7 =	vand.u32 $0x1FFF, v5;
	v5 =	vshrl.u32 v5, $0xD;
	v8 =	vld [tilespmem:s26+$0x60]  }
0x47: {  	[tilespmem:s26+$0x2800] =	vst v6;
	v10 =	vand.u32 $0x1FFF, v4;
	v11 =	vshrl.u32 v4, $0xD  }
0x48: {  	[tilespmem:s26+$0x1410] =	vst v7;
	v7 =	vand.u32 $0x1FFF, v3;
	v12 =	vshrl.u32 v3, $0xD  }
0x49: {  	[tilespmem:s26+$0x2810] =	vst v5;
	v13 =	vand.u32 $0x1FFF, v2;
	v6 =	vshrl.u32 v2, $0xD  }
.Ltmp1:
0x4a: {  	[tilespmem:s26+$0x1420] =	vst v10;
	v5 =	vand.u32 $0x1FFF, v9;
	v4 =	vshrl.u32 v9, $0xD;
	(pc) =	sbr.rel @p0 .LBB2_4-.Ltmp1, $4  }
0x4b: {  	[tilespmem:s26+$0x2820] =	vst v11;
	v3 =	vand.u32 $0x1FFF, v8;
	v2 =	vshrl.u32 v8, $0xD  }
0x4c: {  	[tilespmem:s26+$0x1430] =	vst v7  }
0x4d: {  	[tilespmem:s26+$0x2830] =	vst v12  }
0x4e: {  	s28 =	sshra.s32 s29, $0x2;
	s29 =	sadd.s32 $0x200, s29;
	[tilespmem:s26+$0x1440] =	vst v13  }
0x4f: {  	v7 =	vld [tilespmem:s28+$0x70];
	[tilespmem:s26+$0x2840] =	vst v6  }
0x50: {  	v6 =	vld [tilespmem:s28+$0x0];
	[tilespmem:s26+$0x1450] =	vst v5  }
0x51: {  	v5 =	vld [tilespmem:s28+$0x10];
	[tilespmem:s26+$0x2850] =	vst v4  }
0x52: {  	v4 =	vld [tilespmem:s28+$0x20];
	[tilespmem:s26+$0x1460] =	vst v3  }
0x53: {  	v3 =	vld [tilespmem:s28+$0x30];
	[tilespmem:s26+$0x2860] =	vst v2  }
0x54: {  	v2 =	vld [tilespmem:s28+$0x40];
	[tilespmem:s26+$0x1470] =	vst v1;
	v1 =	vshrl.u32 v7, $0xD  }
0x55: {  	v9 =	vand.u32 $0x1FFF, v6;
	[tilespmem:s28+$0x2870] =	vst v1  }
0x56: {  	v1 =	vshrl.u32 v6, $0xD;
	[tilespmem:s28+$0x1400] =	vst v9  }
0x57: {  	v61 =	vand.u32 $0x1FFF, v5;
	[tilespmem:s28+$0x2800] =	vst v1  }
0x58: {  	v1 =	vshrl.u32 v5, $0xD;
	[tilespmem:s28+$0x1410] =	vst v61  }
0x59: {  	v62 =	vand.u32 $0x1FFF, v4;
	[tilespmem:s28+$0x2810] =	vst v1  }
0x5a: {  	v8 =	vld [tilespmem:s28+$0x50];
	v1 =	vshrl.u32 v4, $0xD;
	[tilespmem:s28+$0x1420] =	vst v62  }
0x5b: {  	v63 =	vand.u32 $0x1FFF, v3;
	[tilespmem:s28+$0x2820] =	vst v1  }
0x5c: {  	v60 =	vld [tilespmem:s28+$0x60];
	v1 =	vshrl.u32 v3, $0xD;
	[tilespmem:s28+$0x1430] =	vst v63  }
0x5d: {  	v3 =	vand.u32 $0x1FFF, v2;
	[tilespmem:s28+$0x2830] =	vst v1  }
0x5e: {  	v1 =	vshrl.u32 v2, $0xD;
	[tilespmem:s28+$0x1440] =	vst v3  }
0x5f: {  	v2 =	vand.u32 $0x1FFF, v8;
	[tilespmem:s28+$0x2840] =	vst v1  }
0x60: {  	v1 =	vshrl.u32 v8, $0xD;
	[tilespmem:s28+$0x1450] =	vst v2  }
0x61: {  	v2 =	vand.u32 $0x1FFF, v60;
	[tilespmem:s28+$0x2850] =	vst v1  }
0x62: {  	v1 =	vshrl.u32 v60, $0xD;
	[tilespmem:s28+$0x1460] =	vst v2  }
0x63: {  	v2 =	vand.u32 $0x1FFF, v7;
	[tilespmem:s28+$0x2860] =	vst v1  }
0x64: {  	[tilespmem:s28+$0x1470] =	vst v2  }
0x65: {  	[bflag:$0x0] =	sbarrier.arrive $0xFFFF  }
0x66: {  	[tilespmem:s16], [sflag:$0x1] =	stream.indirect.gather [spmem:s1], $0x80, s15, s14, $0xb8;
	[tilespmem:$0x1AC00] =	vst v63  }
0x67: {  	_ = 	snop  }
0x68: {  	[tilespmem:s18], [sflag:$0x2] =	stream.indirect.gather [spmem:s1], $0x80, s17, s14, $0xb8;
	[tilespmem:$0x1AC00] =	vst v63  }
0x69: {  	_ =	swait.ge [sflag:s19], $0x4000  }
0x6a: {  	[sflag:s19] =	ssyncset.done $0x0  }
0x6b: {  	s29 =	simm.s32 $0x2800;
	[sflag:s19] =	ssyncadd.s32 $0xFFFFC000  }
0x6c: {  	[spmem:s3] =	stream.indirect.scatter.add.f32 [tilespmem:s16], [sflag:$0x3], $0x80, s29, s14, $0xb8;
	[tilespmem:$0x1AC00] =	vst v63  }
0x6d: {  	_ =	swait.ge [sflag:s20], $0x4000  }
0x6e: {  	[sflag:s20] =	ssyncset.done $0x0  }
0x6f: {  	s30 =	simm.s32 $0x2880;
	[sflag:s20] =	ssyncadd.s32 $0xFFFFC000  }
0x70: {  	[spmem:s3] =	stream.indirect.scatter.add.f32 [tilespmem:s18], [sflag:$0x4], $0x80, s30, s14, $0xb8;
	[tilespmem:$0x1AC00] =	vst v63  }
0x71: {  	_ =	swait.ge [sflag:s21], $0x4000  }
0x72: {  	[sflag:s21] =	ssyncset.done $0x0  }
0x73: {  	s31 =	simm.s32 $0x1500;
	[sflag:s21] =	ssyncadd.s32 $0xFFFFC000  }
0x74: {  	[tilespmem:s16], [sflag:$0x1] =	stream.indirect.gather [spmem:s1], $0x80, s31, s14, $0xb8;
	[tilespmem:$0x1AC00] =	vst v63  }
0x75: {  	_ =	swait.ge [sflag:s22], $0x4000  }
0x76: {  	[sflag:s22] =	ssyncset.done $0x0  }
0x77: {  	s26 =	simm.s32 $0x400;
	s28 =	simm.s32 $0x1580;
	[sflag:s22] =	ssyncadd.s32 $0xFFFFC000  }
.LBB2_6:
0x78: {  	[tilespmem:s18], [sflag:$0x2] =	stream.indirect.gather [spmem:s1], $0x80, s28, s14, $0xb8;
	[tilespmem:$0x1AC00] =	vst v63  }
0x79: {  	s28 =	smov.u32 s26  }
0x7a: {  	p0 =	sne.s32 s26, $0x4800;
	s26 =	sadd.s32 $0x400, s26;
	_ =	swait.ge [sflag:s19], $0x4000  }
0x7b: {  	s28 =	sshra.s32 s28, $0x2;
	[sflag:s19] =	ssyncset.done $0x0  }
0x7c: {  	s29 =	sadd.s32 $0x2800, s28;
	[sflag:s19] =	ssyncadd.s32 $0xFFFFC000  }
0x7d: {  	[spmem:s3] =	stream.indirect.scatter.add.f32 [tilespmem:s16], [sflag:$0x3], $0x80, s29, s14, $0xb8;
	[tilespmem:$0x1AC00] =	vst v63  }
0x7e: {  	_ =	swait.ge [sflag:s20], $0x4000  }
0x7f: {  	[sflag:s20] =	ssyncset.done $0x0  }
0x80: {  	s29 =	sadd.s32 $0x2880, s28;
	[sflag:s20] =	ssyncadd.s32 $0xFFFFC000  }
0x81: {  	[spmem:s3] =	stream.indirect.scatter.add.f32 [tilespmem:s18], [sflag:$0x4], $0x80, s29, s14, $0xb8;
	[tilespmem:$0x1AC00] =	vst v63  }
0x82: {  	_ =	swait.ge [sflag:s21], $0x4000  }
0x83: {  	[sflag:s21] =	ssyncset.done $0x0  }
.Ltmp2:
0x84: {  	s29 =	sadd.s32 $0x1500, s28;
	[sflag:s21] =	ssyncadd.s32 $0xFFFFC000;
	(pc) =	sbr.rel @p0 .LBB2_6-.Ltmp2, $4  }
0x85: {  	[tilespmem:s16], [sflag:$0x1] =	stream.indirect.gather [spmem:s1], $0x80, s29, s14, $0xb8;
	[tilespmem:$0x1AC00] =	vst v63  }
0x86: {  	_ =	swait.ge [sflag:s22], $0x4000  }
0x87: {  	[sflag:s22] =	ssyncset.done $0x0  }
0x88: {  	s28 =	sadd.s32 $0x1580, s28;
	[sflag:s22] =	ssyncadd.s32 $0xFFFFC000  }
0x89: {  	[tilespmem:s18], [sflag:$0x2] =	stream.indirect.gather [spmem:s1], $0x80, s28, s14, $0xb8;
	[tilespmem:$0x1AC00] =	vst v63  }
0x8a: {  	_ =	swait.ge [sflag:s19], $0x4000  }
0x8b: {  	[sflag:s19] =	ssyncset.done $0x0  }
0x8c: {  	[sflag:s19] =	ssyncadd.s32 $0xFFFFC000  }
0x8d: {  	[spmem:s3] =	stream.indirect.scatter.add.f32 [tilespmem:s16], [sflag:$0x3], $0x80, s23, s14, $0xb8;
	[tilespmem:$0x1AC00] =	vst v63  }
0x8e: {  	_ =	swait.ge [sflag:s20], $0x4000  }
0x8f: {  	[sflag:s20] =	ssyncset.done $0x0  }
0x90: {  	[sflag:s20] =	ssyncadd.s32 $0xFFFFC000  }
0x91: {  	[spmem:s3] =	stream.indirect.scatter.add.f32 [tilespmem:s18], [sflag:$0x4], $0x80, s24, s14, $0xb8;
	[tilespmem:$0x1AC00] =	vst v63  }
0x92: {  	_ =	swait.ge [sflag:s21], $0x4000  }
0x93: {  	[sflag:s21] =	ssyncset.done $0x0  }
0x94: {  	[sflag:s21] =	ssyncadd.s32 $0xFFFFC000  }
0x95: {  	_ =	swait.ge [sflag:s22], $0x4000  }
0x96: {  	[sflag:s22] =	ssyncset.done $0x0  }
0x97: {  	[sflag:s22] =	ssyncadd.s32 $0xFFFFC000  }
0x98: {  	[bflag:$0x0] =	sbarrier.arrive $0xFFFF  }
0x99: {  	[tilespmem:s13], [sflag:$0x5] =	stream.linear.gather [spmem:s8], $0x5000, $0x38;
	[tilespmem:$0x1AC00] =	vst v63  }
0x9a: {  	s25 =	sadd.s32 $0x1, s25;
	_ =	swait.ge [sflag:s12], $0x5000  }
0x9b: {  	p0 =	sne.s32 s25, s10;
	[sflag:s12] =	ssyncset.done $0x0  }
.Ltmp3:
0x9c: {  	[sflag:s12] =	ssyncadd.s32 $0xFFFFB000;
	(pc) =	sbr.rel @p0 .LBB2_1-.Ltmp3, $4  }
0x9d: {  	[hbm4b:s9+s4] =	stream.linear.scatter [tilespmem:s13], [sflag:$0x5], $0x5000, $0x38;
	[tilespmem:$0x1AC00] =	vst v63  }
0x9e: {  	_ =	swait.ge [sflag:s12], $0x5000  }
0x9f: {  	[sflag:s12] =	ssyncset.done $0x0  }
0xa0: {  	[sflag:s12] =	ssyncadd.s32 $0xFFFFB000  }
0xa1: {  	_ =	sfence.sel $0x180000  }
0xa2: {  	[bflag:$0x0] =	sbarrier.arrive $0xFFFF  }
0xa3: {  	p0 =	sne.s32 s2, $0x0;
	_ =	strace $0x9000004A  }
0xa4: {  	s0 =	sadd.s32 @!p0 $0x100000, s0;
	[bflag:$0x2] =	sbarrier.arrive $0xFFFF  }
0xa5: {  	[sflag:s0] =	ssyncadd.tile.s32 @!p0 $0x1;
	_ =	shalt  }
.Lfunc_end2:
_tile_overlayer_lowered:
.L_overlay_start_2:
0xa6: {  	(tag) =	ssettag $0x2  }
0xa7: {  	s0 =	rddreg [dreg:$0x0];
	s2 =	stileid.u32  }
0xa8: {  	s1 =	rddreg [dreg:$0x1];
	p0 =	sne.s32 s2, $0x0  }
0xa9: {  	s3 =	rddreg [dreg:$0x2];
	[bflag:$0x3] =	sbarrier.arrive $0xFFFF;
	s2 =	simm.s32 @!p0 $0x1C05  }
0xaa: {  	[timem:s3], [sflag:s2] =	dma.local @!p0 [hbm:s0], s1  }
0xab: {  	s0 =	simm.s32 @!p0 $0x5  }
0xac: {  	_ =	swait.ge @!p0 [sflag:s0], s1  }
0xad: {  	s1 =	ssub.s32 @!p0 $0x0, s1;
	[sflag:s0] =	ssyncset.done @!p0 $0x0  }
0xae: {  	[sflag:s0] =	ssyncadd.s32 @!p0 s1  }
0xaf: {  	[bflag:$0x3] =	sbarrier.arrive $0xFFFF  }
0xb0: {  	_ =	shalt  }

// kernel: kernel.7.cloned.1.call-start
scs
__scs_entry_jumppad:
0x0: {  	(pc) =	sbr.rel $0x88, $3  }
0x1: {  	(tag) =	ssettag $0x0;
	lr =	simm.s32 $0x1  }
0x2: {  	[smem:$0x3F55] =	sst lr;
	_ =	strace $0xD0000000  }
0x3: {  	_ = 	snop  }
0x4: {  	_ = 	snop  }
0x5: {  	_ = 	snop  }
0x6: {  	_ = 	snop  }
0x7: {  	_ = 	snop  }
__scs_overlays_trampoline_lowered:
0x8: {  	[smem:$0x3F64] =	sst s0  }
0x9: {  	[smem:$0x3F65] =	sst s1  }
0xa: {  	[smem:$0x3F66] =	sst s2  }
0xb: {  	[smem:$0x3F67] =	sst s3  }
0xc: {  	[smem:$0x3F68] =	sst s4  }
0xd: {  	[smem:$0x3F69] =	sst s5  }
0xe: {  	[smem:$0x3F6A] =	sst s6  }
0xf: {  	[smem:$0x3F6B] =	sst s7  }
0x10: {  	[smem:$0x3F6C] =	sst s8  }
0x11: {  	[smem:$0x3F6D] =	sst s9;
	s0 =	simm.s32 @!p0 $0x0  }
0x12: {  	s1 =	sld [smem:$0x3F53];
	s0 =	simm.s32 @p0 $0x1  }
0x13: {  	[smem:$0x3F6E] =	sst s0;
	s0 =	simm.s32 @!p1 $0x0  }
0x14: {  	s2 =	sld [smem:$0x3F52];
	s0 =	simm.s32 @p1 $0x1  }
0x15: {  	[smem:$0x3F6F] =	sst s0;
	s0 =	simm.s32 @!p2 $0x0  }
0x16: {  	s3 =	sld [smem:$0x3FDB];
	s0 =	simm.s32 @p2 $0x1  }
0x17: {  	s4 =	simm.s32 $0x1BF5;
	[smem:$0x3F71] =	sst s0  }
0x18: {  	s0 =	sld [smem:$0x3F54];
	_ =	swait.ge [sflag:s4], $0x0  }
0x19: {  	s7 =	sld [smem:$0x3F55]  }
0x1a: {  	s8 =	sadd.s32 $0xFFFFE003, lr  }
0x1b: {  	s9 =	sadd.s32 $0xFFFFFEF7, lr;
	s5 =	simm.s32 $0xFFFFFFFF;
	p2 =	slt.u32 s8, $0xFFFFF086  }
0x1c: {  	p1 =	slt.u32 s9, $0xF7A;
	s5 =	simm.s32 @!p2 $0x0  }
0x1d: {  	s5 =	simm.s32 @p1 $0x1;
	p0 =	seq.s32 s7, s2  }
0x1e: {  	s7 =	smul.u32 @!p0 $0xF7A, s2;
	p2 =	seq.s32 @!p0 s5, $0x0  }
0x1f: {  	s9 =	smul.u32 $0xF7A, s1;
	s8 =	simm.s32 @!p0 $0x1BF5;
	p2 =	por !p2, p0  }
0x20: {  	[sflag:s8] =	ssyncset.s32 @!p0 $0xFFFFF086;
	s6 =	sadd.s32 @!p0 s3, s7;
	s7 =	simm.s32 @!p0 $0x108  }
0x21: {  	s3 =	sadd.s32 s3, s9;
	s6 =	sadd.s32 @!p0 $0x88, s6;
	s7 =	simm.s32 @p2 $0x1082  }
0x22: {  	[simem:s7], [sflag:s8] =	dma.local @!p0 [hbm:s6], $0xF7A  }
0x23: {  	s9 =	sor.u32 $0xD0000000, s2;
	s6 =	simm.s32 $0x108;
	_ =	swait.ge @!p0 [sflag:s8], $0x0  }
0x24: {  	s3 =	sadd.s32 $0x88, s3;
	s6 =	simm.s32 @!p1 $0x1082;
	[sflag:s4] =	ssyncset.s32 $0xFFFFF086  }
0x25: {  	[simem:s6], [sflag:s4] =	dma.local [hbm:s3], $0xF7A  }
0x26: {  	[smem:$0x3F55] =	sst s1;
	(tag) =	ssettag s2;
	_ =	strace s9  }
0x27: {  	s1 =	sld [smem:$0x3F65]  }
0x28: {  	s2 =	sld [smem:$0x3F66]  }
0x29: {  	s4 =	sld [smem:$0x3F68]  }
0x2a: {  	p0 =	seq.s32 s5, $0x0;
	s5 =	sld [smem:$0x3F69]  }
0x2b: {  	s6 =	sld [smem:$0x3F6A]  }
0x2c: {  	s7 =	sld [smem:$0x3F6B]  }
0x2d: {  	s3 =	simm.s32 $0x108;
	s8 =	sld [smem:$0x3F6C]  }
0x2e: {  	s3 =	simm.s32 @!p0 $0x1082;
	s9 =	sld [smem:$0x3F6D]  }
0x2f: {  	lr =	sadd.s32 s0, s3;
	s0 =	sld [smem:$0x3F64]  }
0x30: {  	s3 =	sld [smem:$0x3F67]  }
0x31: {  	[smem:$0x3F70] =	sst s10  }
0x32: {  	s10 =	sld [smem:$0x3F6E];
	_ =	sdelay $0x3  }
0x33: {  	p0 =	seq.s32 s10, $0x1;
	s10 =	sld [smem:$0x3F70];
	_ =	sdelay $0x3  }
0x34: {  	[smem:$0x3F70] =	sst s10  }
0x35: {  	s10 =	sld [smem:$0x3F6F];
	_ =	sdelay $0x3  }
0x36: {  	p1 =	seq.s32 s10, $0x1;
	s10 =	sld [smem:$0x3F70];
	_ =	sdelay $0x3  }
0x37: {  	[smem:$0x3F70] =	sst s10  }
0x38: {  	s10 =	sld [smem:$0x3F71]  }
0x39: {  	_ = 	snop;
	(pc) =	sbr.ind lr, $3  }
0x3a: {  	_ = 	snop  }
0x3b: {  	_ = 	snop  }
0x3c: {  	p2 =	seq.s32 s10, $0x1;
	s10 =	sld [smem:$0x3F70]  }
0x3d: {  	_ =	shalt  }
0x3e: {  	_ =	shalt  }
0x3f: {  	_ =	shalt  }
0x40: {  	_ =	shalt  }
0x41: {  	_ =	shalt  }
0x42: {  	_ =	shalt  }
0x43: {  	_ =	shalt  }
0x44: {  	_ =	shalt  }
0x45: {  	_ =	shalt  }
0x46: {  	_ =	shalt  }
0x47: {  	_ =	shalt  }
0x48: {  	_ =	shalt  }
0x49: {  	_ =	shalt  }
0x4a: {  	_ =	shalt  }
0x4b: {  	_ =	shalt  }
0x4c: {  	_ =	shalt  }
0x4d: {  	_ =	shalt  }
0x4e: {  	_ =	shalt  }
0x4f: {  	_ =	shalt  }
0x50: {  	_ =	shalt  }
0x51: {  	_ =	shalt  }
0x52: {  	_ =	shalt  }
0x53: {  	_ =	shalt  }
0x54: {  	_ =	shalt  }
0x55: {  	_ =	shalt  }
0x56: {  	_ =	shalt  }
0x57: {  	_ =	shalt  }
0x58: {  	_ =	shalt  }
0x59: {  	_ =	shalt  }
0x5a: {  	_ =	shalt  }
0x5b: {  	_ =	shalt  }
0x5c: {  	_ =	shalt  }
0x5d: {  	_ =	shalt  }
0x5e: {  	_ =	shalt  }
0x5f: {  	_ =	shalt  }
0x60: {  	_ =	shalt  }
0x61: {  	_ =	shalt  }
0x62: {  	_ =	shalt  }
0x63: {  	_ =	shalt  }
0x64: {  	_ =	shalt  }
0x65: {  	_ =	shalt  }
0x66: {  	_ =	shalt  }
0x67: {  	_ =	shalt  }
0x68: {  	_ =	shalt  }
0x69: {  	_ =	shalt  }
0x6a: {  	_ =	shalt  }
0x6b: {  	_ =	shalt  }
0x6c: {  	_ =	shalt  }
0x6d: {  	_ =	shalt  }
0x6e: {  	_ =	shalt  }
0x6f: {  	_ =	shalt  }
0x70: {  	_ =	shalt  }
0x71: {  	_ =	shalt  }
0x72: {  	_ =	shalt  }
0x73: {  	_ =	shalt  }
0x74: {  	_ =	shalt  }
0x75: {  	_ =	shalt  }
0x76: {  	_ =	shalt  }
0x77: {  	_ =	shalt  }
0x78: {  	_ =	shalt  }
0x79: {  	_ =	shalt  }
0x7a: {  	_ =	shalt  }
0x7b: {  	_ =	shalt  }
0x7c: {  	_ =	shalt  }
0x7d: {  	_ =	shalt  }
0x7e: {  	_ =	shalt  }
0x7f: {  	_ =	shalt  }
0x80: {  	_ =	shalt  }
0x81: {  	_ =	shalt  }
0x82: {  	_ =	shalt  }
0x83: {  	_ =	shalt  }
0x84: {  	_ =	shalt  }
0x85: {  	_ =	shalt  }
0x86: {  	_ =	shalt  }
0x87: {  	_ =	shalt  }
.Lfunc_end0:
.L_simem_size_0:
called_computation_lowered:
.L_overlay_start_0:
0x88: {  	s2 =	sld [smem:$0x3FD9]  }
0x89: {  	s3 =	sld [smem:$0x3FFE];
	_ =	sdelay $0x1  }
0x8a: {  	s1 =	srdreg.scid  }
0x8b: {  	s0 =	sand.u32 $0x1, s1  }
0x8c: {  	s17 =	sshll.u32 s0, $0xA;
	s2 =	sadd.s32 s3, s2  }
0x8d: {  	s2 =	sadd.s32 s2, s17  }
0x8e: {  	[smem:$0x3F7C] =	sst s2  }
0x8f: {  	_ = 	snop  }
0x90: {  	s2 =	sld [smem:$0x3FD0];
	(tm) =	ssettm $0x1  }
0x91: {  	s18 =	sld [smem:$0x3FFB];
	_ =	sdelay $0x3  }
0x92: {  	_ =	strace s18  }
0x93: {  	s3 =	sld [smem:$0x3FFC];
	_ =	sdelay $0x3  }
0x94: {  	_ =	strace s3  }
0x95: {  	s3 =	sld [smem:$0x3FFD];
	_ =	sdelay $0x3  }
0x96: {  	_ =	strace s3  }
0x97: {  	_ =	strace $0x8FFFFFFF  }
0x98: {  	s19 =	sld [smem:$0x3FDB];
	_ =	sdelay $0x1  }
0x99: {  	s4 =	simm.s32 $_scs_section_size  }
0x9a: {  	s5 =	simm.s32 $_size__tile_overlayer_lowered;
	s6 =	simm.s32 $_tile_overlayer_lowered  }
0x9b: {  	s22 =	simm.s32 $0x1BFF;
	s21 =	sshll.u32 s6, $0x1;
	s3 =	sadd.s32 s4, s19  }
0x9c: {  	s7 =	simm.s32 $0x0;
	s20 =	sshll.u32 s5, $0x1;
	s5 =	sadd.s32 s21, s3  }
0x9d: {  	[timem:s7], [sflag:s22] =	dma.local [hbm:s5], s20  }
0x9e: {  	_ =	swait.ge [sflag:s22], s20  }
0x9f: {  	s4 =	ssub.s32 $0x0, s20;
	[sflag:s22] =	ssyncset.done $0x0  }
0xa0: {  	[sflag:s22] =	ssyncadd.s32 s4;
	_ =	sdelay $0x1  }
0xa1: {  	s23 =	simm.s32 $0x1B8B  }
0xa2: {  	_ =	swait.ge [sflag:s23], $0x1  }
0xa3: {  	[sflag:s23] =	ssyncset.done $0x0  }
0xa4: {  	s25 =	simm.s32 $0x1B8E;
	s24 =	sld [smem:$0x3FFE];
	[sflag:s23] =	ssyncadd.s32 $0xFFFFFFFF  }
0xa5: {  	s26 =	simm.s32 $execute0_lowered;
	[smem:$0x3FD2] =	sst s25  }
0xa6: {  	s5 =	sshll.u32 s26, $0x1;
	_ =	strace $0x80000046;
	[dreg:$0x1] =	wrdreg $0xFFFFFFFF  }
0xa7: {  	s28 =	simm.s32 $_size_execute0_lowered;
	s3 =	sadd.s32 s3, s5;
	[dreg:$0x0] =	wrdreg $0x0  }
0xa8: {  	s5 =	sshll.u32 s28, $0x1;
	[dreg:$0x2] =	wrdreg s3  }
0xa9: {  	[dreg:$0x3] =	wrdreg s5  }
0xaa: {  	[dreg:$0x4] =	wrdreg $0xC0  }
0xab: {  	_ =	task [dreg:s7], $0x5FFFF  }
0xac: {  	[dreg:$0x1] =	wrdreg $0xFFFFFFFF  }
0xad: {  	[dreg:$0x0] =	wrdreg $0x60  }
0xae: {  	[dreg:$0x2] =	wrdreg s2  }
0xaf: {  	[dreg:$0x3] =	wrdreg s24  }
0xb0: {  	[dreg:$0x4] =	wrdreg $0x10C000  }
0xb1: {  	[dreg:$0x5] =	wrdreg $0x1AC000  }
0xb2: {  	[dreg:$0x6] =	wrdreg $0x9  }
0xb3: {  	_ =	task.clear_ibuf [dreg:s7], $0x7FFFF;
	_ =	strace $0x90000046  }
0xb4: {  	s29 =	simm.s32 $0x9;
	_ =	strace $0x80000048  }
0xb5: {  	_ =	swait.ge [sflag:s29], $0x1  }
0xb6: {  	[sflag:s29] =	ssyncadd.s32 $0xFFFFFFFF  }
0xb7: {  	_ =	strace $0x90000048  }
0xb8: {  	_ =	sfence  }
0xb9: {  	s30 =	sld [smem:$0x0];
	_ =	sdelay $0x2  }
0xba: {  	s31 =	sshll.u32 s1, $0xD;
	s1 =	sshrl.u32 s1, $0x2  }
0xbb: {  	s3 =	sand.u32 $0x4000, s31;
	s1 =	sadd.s32 s1, s30  }
0xbc: {  	s0 =	sor.u32 s3, s0;
	s1 =	sshll.u32 s1, $0x11  }
0xbd: {  	s0 =	sor.u32 s1, s0  }
0xbe: {  	s0 =	sadd.s32 $0x8F2B, s0  }
0xbf: {  	[sflag:s0] =	ssyncadd.remote.s32 $0x1  }
0xc0: {  	_ =	sfence.sel $0xFFFF  }
0xc1: {  	[dreg:$0x0] =	wrdreg $0xFFFFFFFF;
	(pc) =	sbr.abs _section_cstart, $3  }
0xc2: {  	[dreg:$0x1] =	wrdreg $0xFFFFFFFF  }
0xc3: {  	_ =	task.clear_ibuf [dreg:s7], $0x2FFFF;
	_ =	strace $0x9FFFFFFF  }
0xc4: {  	(tm) =	ssettm $0x7FFFFFFF  }
0xc5: {  	_ =	shalt  }
tec
execute0_lowered:
.L_overlay_start_1:
0x0: {  	(tag) =	ssettag $0x1  }
0x1: {  	s6 =	rddreg [dreg:$0x0]  }
0x2: {  	s7 =	rddreg [dreg:$0x1]  }
0x3: {  	s2 =	rddreg [dreg:$0x2]  }
0x4: {  	s0 =	srdreg.scid;
	s3 =	rddreg [dreg:$0x3];
	s4 =	simm.s32 $0x0  }
0x5: {  	s14 =	simm.s32 $0x80;
	s15 =	simm.s32 $0x1400;
	s16 =	simm.s32 $0x3C00  }
0x6: {  	s17 =	simm.s32 $0x1480;
	s18 =	simm.s32 $0x7C00;
	s5 =	sand.u32 $0x1, s0  }
0x7: {  	s19 =	simm.s32 $0x1;
	s0 =	stileid.u32;
	s9 =	smul.u32 $0x50000, s5  }
0x8: {  	s20 =	simm.s32 $0x2;
	s21 =	simm.s32 $0x3;
	s10 =	smul.u32 $0x5000, s0  }
0x9: {  	s22 =	simm.s32 $0x4;
	s23 =	simm.s32 $0x3B00;
	s25 =	smul.u32 $0x28000, s0  }
0xa: {  	s24 =	simm.s32 $0x3B80;
	[smem:$0x7FF] =	sst s4;
	s11 =	smul.u32 $0x1400, s0  }
0xb: {  	s1 =	sshll.u32 s5, $0x4;
	s5 =	ssub.s32 $0x2, s5;
	s29 =	smul.u32 $0x14000, s0  }
0xc: {  	s30 =	sshll.u32 s0, $0x6;
	s1 =	sor.u32 s0, s1;
	s26 =	sshrl.u32 s5, $0x1  }
0xd: {  	s8 =	smul.u32 $0x280, s1;
	s1 =	rddreg [dreg:$0x4];
	_ =	strace $0x80000047  }
0xe: {  	s9 =	sadd.s32 s10, s9;
	s12 =	ssub.s32 s5, s26;
	s28 =	sshrl.u32 s25, $0x2  }
0xf: {  	s5 =	sadd.s32 s6, s11;
	s6 =	sor.u32 $0x1C05, s30;
	s31 =	sshrl.u32 s29, $0x2  }
0x10: {  	s25 =	simm.s32 $0x0;
	s9 =	sshrl.u32 s9, $0x3;
	s13 =	sadd.s32 s28, s2  }
0x11: {  	s10 =	smax.u32 s12, $0x1;
	s12 =	simm.s32 $0x5;
	s8 =	sadd.s32 s8, s7  }
0x12: {  	s9 =	sadd.s32 s9, s7;
	s11 =	sshrl.u32 s13, $0x3;
	s13 =	simm.s32 $0xBC00  }
0x13: {  	v0 =	vimm.f32 $0.0e+00;
	s7 =	sadd.s32 $0xA400, s8;
	s8 =	sadd.s32 s31, s3;
	s9 =	sadd.s32 $0x14400, s9  }
.LBB2_1:
0x14: {  	[spmem:s11], [sflag:s6] =	dma.local [hbm:s5], $0x1400  }
0x15: {  	_ =	swait.ge [sflag:s12], $0x1400  }
0x16: {  	[sflag:s12] =	ssyncset.done $0x0  }
0x17: {  	[sflag:s12] =	ssyncadd.s32 $0xFFFFEC00  }
0x18: {  	[tilespmem:s4], [sflag:$0x5] =	stream.linear.gather [hbm4b:s7+s4], $0x1400, $0x38;
	[tilespmem:$0x1FC00] =	vst v63  }
0x19: {  	_ =	swait.ge [sflag:s12], $0x1400  }
0x1a: {  	[sflag:s12] =	ssyncset.done $0x0  }
0x1b: {  	s26 =	simm.s32 $0x70;
	s28 =	simm.s32 $0x3C0;
	[sflag:s12] =	ssyncadd.s32 $0xFFFFEC00  }
.LBB2_2:
0x1c: {  	p0 =	sne.s32 s28, $0x13FC0;
	[tilespmem:s26+$0xBC00] =	vst v0  }
0x1d: {  	[tilespmem:s26+$0xBB90] =	vst v0  }
0x1e: {  	[tilespmem:s26+$0xBBA0] =	vst v0  }
.Ltmp0:
0x1f: {  	[tilespmem:s26+$0xBBB0] =	vst v0;
	(pc) =	sbr.rel @p0 .LBB2_2-.Ltmp0, $4  }
0x20: {  	[tilespmem:s26+$0xBBC0] =	vst v0  }
0x21: {  	[tilespmem:s26+$0xBBD0] =	vst v0  }
0x22: {  	[tilespmem:s26+$0xBBE0] =	vst v0  }
0x23: {  	[tilespmem:s26+$0xBBF0] =	vst v0;
	s26 =	sshra.s32 s28, $0x2;
	s28 =	sadd.s32 $0x200, s28  }
0x24: {  	[tilespmem:s26+$0xBC00] =	vst v0  }
0x25: {  	[tilespmem:s26+$0xBB90] =	vst v0  }
0x26: {  	[tilespmem:s26+$0xBBA0] =	vst v0  }
0x27: {  	[tilespmem:s26+$0xBBB0] =	vst v0  }
0x28: {  	[tilespmem:s26+$0xBBC0] =	vst v0  }
0x29: {  	[tilespmem:s26+$0xBBD0] =	vst v0  }
0x2a: {  	[tilespmem:s26+$0xBBE0] =	vst v0  }
0x2b: {  	[tilespmem:s26+$0xBBF0] =	vst v0  }
0x2c: {  	[spmem:s8] =	stream.linear.scatter [tilespmem:s13], [sflag:$0x5], $0x5000, $0x38;
	[tilespmem:$0x1FC00] =	vst v63  }
0x2d: {  	_ =	swait.ge [sflag:s12], $0x5000  }
0x2e: {  	[sflag:s12] =	ssyncset.done $0x0  }
0x2f: {  	s26 =	simm.s32 $0x0;
	[sflag:s12] =	ssyncadd.s32 $0xFFFFB000  }
0x30: {  	v1 =	vld [tilespmem:s26+$0x70]  }
0x31: {  	v2 =	vld [tilespmem:s26+$0x0];
	_ =	sdelay $0x1  }
0x32: {  	v3 =	vld [tilespmem:s26+$0x10]  }
0x33: {  	v6 =	vld [tilespmem:s26+$0x40]  }
0x34: {  	v7 =	vshrl.u32 v1, $0xD  }
0x35: {  	v4 =	vld [tilespmem:s26+$0x20];
	v9 =	vand.u32 $0x1FFF, v2;
	[tilespmem:s26+$0x2870] =	vst v7  }
0x36: {  	v2 =	vshrl.u32 v2, $0xD;
	[tilespmem:s26+$0x1400] =	vst v9  }
0x37: {  	v5 =	vld [tilespmem:s26+$0x30];
	v62 =	vand.u32 $0x1FFF, v3;
	[tilespmem:s26+$0x2800] =	vst v2  }
0x38: {  	v8 =	vld [tilespmem:s26+$0x50];
	v63 =	vand.u32 $0x1FFF, v6;
	[tilespmem:s26+$0x1410] =	vst v62  }
0x39: {  	v7 =	vld [tilespmem:s26+$0x60];
	v2 =	vshrl.u32 v3, $0xD;
	[tilespmem:s26+$0x1440] =	vst v63  }
0x3a: {  	v3 =	vand.u32 $0x1FFF, v4;
	[tilespmem:s26+$0x2810] =	vst v2  }
0x3b: {  	v2 =	vshrl.u32 v4, $0xD;
	[tilespmem:s26+$0x1420] =	vst v3  }
0x3c: {  	v1 =	vand.u32 $0x1FFF, v1;
	v3 =	vand.u32 $0x1FFF, v5;
	[tilespmem:s26+$0x2820] =	vst v2  }
0x3d: {  	v6 =	vshrl.u32 v6, $0xD;
	v4 =	vshrl.u32 v8, $0xD;
	v2 =	vshrl.u32 v5, $0xD;
	[tilespmem:s26+$0x1430] =	vst v3  }
0x3e: {  	s28 =	simm.s32 $0x80;
	s29 =	simm.s32 $0x400;
	v5 =	vand.u32 $0x1FFF, v8;
	[tilespmem:s26+$0x2830] =	vst v2;
	v3 =	vand.u32 $0x1FFF, v7;
	v2 =	vshrl.u32 v7, $0xD  }
.LBB2_4:
0x3f: {  	p0 =	sne.s32 s29, $0x4E00;
	v7 =	vld [tilespmem:s28+$0x70];
	[tilespmem:s26+$0x2840] =	vst v6  }
0x40: {  	v6 =	vld [tilespmem:s28+$0x0];
	[tilespmem:s26+$0x1450] =	vst v5  }
0x41: {  	v5 =	vld [tilespmem:s28+$0x10];
	[tilespmem:s26+$0x2850] =	vst v4  }
0x42: {  	v4 =	vld [tilespmem:s28+$0x20];
	[tilespmem:s26+$0x1460] =	vst v3  }
0x43: {  	v3 =	vld [tilespmem:s28+$0x30];
	[tilespmem:s26+$0x2860] =	vst v2  }
0x44: {  	v2 =	vld [tilespmem:s28+$0x40];
	v8 =	vshrl.u32 v7, $0xD;
	[tilespmem:s26+$0x1470] =	vst v1;
	v1 =	vand.u32 $0x1FFF, v7;
	s26 =	smov.u32 s28  }
0x45: {  	v7 =	vand.u32 $0x1FFF, v6;
	v6 =	vshrl.u32 v6, $0xD;
	v9 =	vld [tilespmem:s26+$0x50];
	[tilespmem:s26+$0x2870] =	vst v8  }
0x46: {  	[tilespmem:s26+$0x1400] =	vst v7;
	v7 =	vand.u32 $0x1FFF, v5;
	v5 =	vshrl.u32 v5, $0xD;
	v8 =	vld [tilespmem:s26+$0x60]  }
0x47: {  	[tilespmem:s26+$0x2800] =	vst v6;
	v10 =	vand.u32 $0x1FFF, v4;
	v11 =	vshrl.u32 v4, $0xD  }
0x48: {  	[tilespmem:s26+$0x1410] =	vst v7;
	v7 =	vand.u32 $0x1FFF, v3;
	v12 =	vshrl.u32 v3, $0xD  }
0x49: {  	[tilespmem:s26+$0x2810] =	vst v5;
	v13 =	vand.u32 $0x1FFF, v2;
	v6 =	vshrl.u32 v2, $0xD  }
.Ltmp1:
0x4a: {  	[tilespmem:s26+$0x1420] =	vst v10;
	v5 =	vand.u32 $0x1FFF, v9;
	v4 =	vshrl.u32 v9, $0xD;
	(pc) =	sbr.rel @p0 .LBB2_4-.Ltmp1, $4  }
0x4b: {  	[tilespmem:s26+$0x2820] =	vst v11;
	v3 =	vand.u32 $0x1FFF, v8;
	v2 =	vshrl.u32 v8, $0xD  }
0x4c: {  	[tilespmem:s26+$0x1430] =	vst v7  }
0x4d: {  	[tilespmem:s26+$0x2830] =	vst v12  }
0x4e: {  	s28 =	sshra.s32 s29, $0x2;
	s29 =	sadd.s32 $0x200, s29;
	[tilespmem:s26+$0x1440] =	vst v13  }
0x4f: {  	v7 =	vld [tilespmem:s28+$0x70];
	[tilespmem:s26+$0x2840] =	vst v6  }
0x50: {  	v6 =	vld [tilespmem:s28+$0x0];
	[tilespmem:s26+$0x1450] =	vst v5  }
0x51: {  	v5 =	vld [tilespmem:s28+$0x10];
	[tilespmem:s26+$0x2850] =	vst v4  }
0x52: {  	v4 =	vld [tilespmem:s28+$0x20];
	[tilespmem:s26+$0x1460] =	vst v3  }
0x53: {  	v3 =	vld [tilespmem:s28+$0x30];
	[tilespmem:s26+$0x2860] =	vst v2  }
0x54: {  	v2 =	vld [tilespmem:s28+$0x40];
	[tilespmem:s26+$0x1470] =	vst v1;
	v1 =	vshrl.u32 v7, $0xD  }
0x55: {  	v9 =	vand.u32 $0x1FFF, v6;
	[tilespmem:s28+$0x2870] =	vst v1  }
0x56: {  	v1 =	vshrl.u32 v6, $0xD;
	[tilespmem:s28+$0x1400] =	vst v9  }
0x57: {  	v61 =	vand.u32 $0x1FFF, v5;
	[tilespmem:s28+$0x2800] =	vst v1  }
0x58: {  	v1 =	vshrl.u32 v5, $0xD;
	[tilespmem:s28+$0x1410] =	vst v61  }
0x59: {  	v62 =	vand.u32 $0x1FFF, v4;
	[tilespmem:s28+$0x2810] =	vst v1  }
0x5a: {  	v8 =	vld [tilespmem:s28+$0x50];
	v1 =	vshrl.u32 v4, $0xD;
	[tilespmem:s28+$0x1420] =	vst v62  }
0x5b: {  	v63 =	vand.u32 $0x1FFF, v3;
	[tilespmem:s28+$0x2820] =	vst v1  }
0x5c: {  	v60 =	vld [tilespmem:s28+$0x60];
	v1 =	vshrl.u32 v3, $0xD;
	[tilespmem:s28+$0x1430] =	vst v63  }
0x5d: {  	v3 =	vand.u32 $0x1FFF, v2;
	[tilespmem:s28+$0x2830] =	vst v1  }
0x5e: {  	v1 =	vshrl.u32 v2, $0xD;
	[tilespmem:s28+$0x1440] =	vst v3  }
0x5f: {  	v2 =	vand.u32 $0x1FFF, v8;
	[tilespmem:s28+$0x2840] =	vst v1  }
0x60: {  	v1 =	vshrl.u32 v8, $0xD;
	[tilespmem:s28+$0x1450] =	vst v2  }
0x61: {  	v2 =	vand.u32 $0x1FFF, v60;
	[tilespmem:s28+$0x2850] =	vst v1  }
0x62: {  	v1 =	vshrl.u32 v60, $0xD;
	[tilespmem:s28+$0x1460] =	vst v2  }
0x63: {  	v2 =	vand.u32 $0x1FFF, v7;
	[tilespmem:s28+$0x2860] =	vst v1  }
0x64: {  	[tilespmem:s28+$0x1470] =	vst v2  }
0x65: {  	[bflag:$0x0] =	sbarrier.arrive $0xFFFF  }
0x66: {  	[tilespmem:s16], [sflag:$0x1] =	stream.indirect.gather [spmem:s2], $0x80, s15, s14, $0xb8;
	[tilespmem:$0x1FC00] =	vst v63  }
0x67: {  	_ = 	snop  }
0x68: {  	[tilespmem:s18], [sflag:$0x2] =	stream.indirect.gather [spmem:s2], $0x80, s17, s14, $0xb8;
	[tilespmem:$0x1FC00] =	vst v63  }
0x69: {  	_ =	swait.ge [sflag:s19], $0x4000  }
0x6a: {  	[sflag:s19] =	ssyncset.done $0x0  }
0x6b: {  	s29 =	simm.s32 $0x2800;
	[sflag:s19] =	ssyncadd.s32 $0xFFFFC000  }
0x6c: {  	[spmem:s3] =	stream.indirect.scatter.add.f32 [tilespmem:s16], [sflag:$0x3], $0x80, s29, s14, $0xb8;
	[tilespmem:$0x1FC00] =	vst v63  }
0x6d: {  	_ =	swait.ge [sflag:s20], $0x4000  }
0x6e: {  	[sflag:s20] =	ssyncset.done $0x0  }
0x6f: {  	s30 =	simm.s32 $0x2880;
	[sflag:s20] =	ssyncadd.s32 $0xFFFFC000  }
0x70: {  	[spmem:s3] =	stream.indirect.scatter.add.f32 [tilespmem:s18], [sflag:$0x4], $0x80, s30, s14, $0xb8;
	[tilespmem:$0x1FC00] =	vst v63  }
0x71: {  	_ =	swait.ge [sflag:s21], $0x4000  }
0x72: {  	[sflag:s21] =	ssyncset.done $0x0  }
0x73: {  	s31 =	simm.s32 $0x1500;
	[sflag:s21] =	ssyncadd.s32 $0xFFFFC000  }
0x74: {  	[tilespmem:s16], [sflag:$0x1] =	stream.indirect.gather [spmem:s2], $0x80, s31, s14, $0xb8;
	[tilespmem:$0x1FC00] =	vst v63  }
0x75: {  	_ =	swait.ge [sflag:s22], $0x4000  }
0x76: {  	[sflag:s22] =	ssyncset.done $0x0  }
0x77: {  	s26 =	simm.s32 $0x400;
	s28 =	simm.s32 $0x1580;
	[sflag:s22] =	ssyncadd.s32 $0xFFFFC000  }
.LBB2_6:
0x78: {  	[tilespmem:s18], [sflag:$0x2] =	stream.indirect.gather [spmem:s2], $0x80, s28, s14, $0xb8;
	[tilespmem:$0x1FC00] =	vst v63  }
0x79: {  	s28 =	smov.u32 s26  }
0x7a: {  	p0 =	sne.s32 s26, $0x4800;
	s26 =	sadd.s32 $0x400, s26;
	_ =	swait.ge [sflag:s19], $0x4000  }
0x7b: {  	s28 =	sshra.s32 s28, $0x2;
	[sflag:s19] =	ssyncset.done $0x0  }
0x7c: {  	s29 =	sadd.s32 $0x2800, s28;
	[sflag:s19] =	ssyncadd.s32 $0xFFFFC000  }
0x7d: {  	[spmem:s3] =	stream.indirect.scatter.add.f32 [tilespmem:s16], [sflag:$0x3], $0x80, s29, s14, $0xb8;
	[tilespmem:$0x1FC00] =	vst v63  }
0x7e: {  	_ =	swait.ge [sflag:s20], $0x4000  }
0x7f: {  	[sflag:s20] =	ssyncset.done $0x0  }
0x80: {  	s29 =	sadd.s32 $0x2880, s28;
	[sflag:s20] =	ssyncadd.s32 $0xFFFFC000  }
0x81: {  	[spmem:s3] =	stream.indirect.scatter.add.f32 [tilespmem:s18], [sflag:$0x4], $0x80, s29, s14, $0xb8;
	[tilespmem:$0x1FC00] =	vst v63  }
0x82: {  	_ =	swait.ge [sflag:s21], $0x4000  }
0x83: {  	[sflag:s21] =	ssyncset.done $0x0  }
.Ltmp2:
0x84: {  	s29 =	sadd.s32 $0x1500, s28;
	[sflag:s21] =	ssyncadd.s32 $0xFFFFC000;
	(pc) =	sbr.rel @p0 .LBB2_6-.Ltmp2, $4  }
0x85: {  	[tilespmem:s16], [sflag:$0x1] =	stream.indirect.gather [spmem:s2], $0x80, s29, s14, $0xb8;
	[tilespmem:$0x1FC00] =	vst v63  }
0x86: {  	_ =	swait.ge [sflag:s22], $0x4000  }
0x87: {  	[sflag:s22] =	ssyncset.done $0x0  }
0x88: {  	s28 =	sadd.s32 $0x1580, s28;
	[sflag:s22] =	ssyncadd.s32 $0xFFFFC000  }
0x89: {  	[tilespmem:s18], [sflag:$0x2] =	stream.indirect.gather [spmem:s2], $0x80, s28, s14, $0xb8;
	[tilespmem:$0x1FC00] =	vst v63  }
0x8a: {  	_ =	swait.ge [sflag:s19], $0x4000  }
0x8b: {  	[sflag:s19] =	ssyncset.done $0x0  }
0x8c: {  	[sflag:s19] =	ssyncadd.s32 $0xFFFFC000  }
0x8d: {  	[spmem:s3] =	stream.indirect.scatter.add.f32 [tilespmem:s16], [sflag:$0x3], $0x80, s23, s14, $0xb8;
	[tilespmem:$0x1FC00] =	vst v63  }
0x8e: {  	_ =	swait.ge [sflag:s20], $0x4000  }
0x8f: {  	[sflag:s20] =	ssyncset.done $0x0  }
0x90: {  	[sflag:s20] =	ssyncadd.s32 $0xFFFFC000  }
0x91: {  	[spmem:s3] =	stream.indirect.scatter.add.f32 [tilespmem:s18], [sflag:$0x4], $0x80, s24, s14, $0xb8;
	[tilespmem:$0x1FC00] =	vst v63  }
0x92: {  	_ =	swait.ge [sflag:s21], $0x4000  }
0x93: {  	[sflag:s21] =	ssyncset.done $0x0  }
0x94: {  	[sflag:s21] =	ssyncadd.s32 $0xFFFFC000  }
0x95: {  	_ =	swait.ge [sflag:s22], $0x4000  }
0x96: {  	[sflag:s22] =	ssyncset.done $0x0  }
0x97: {  	[sflag:s22] =	ssyncadd.s32 $0xFFFFC000  }
0x98: {  	[bflag:$0x0] =	sbarrier.arrive $0xFFFF  }
0x99: {  	[tilespmem:s13], [sflag:$0x5] =	stream.linear.gather [spmem:s8], $0x5000, $0x38;
	[tilespmem:$0x1FC00] =	vst v63  }
0x9a: {  	s25 =	sadd.s32 $0x1, s25;
	_ =	swait.ge [sflag:s12], $0x5000  }
0x9b: {  	p0 =	sne.s32 s25, s10;
	[sflag:s12] =	ssyncset.done $0x0  }
.Ltmp3:
0x9c: {  	[sflag:s12] =	ssyncadd.s32 $0xFFFFB000;
	(pc) =	sbr.rel @p0 .LBB2_1-.Ltmp3, $4  }
0x9d: {  	[hbm4b:s9+s4] =	stream.linear.scatter [tilespmem:s13], [sflag:$0x5], $0x5000, $0x38;
	[tilespmem:$0x1FC00] =	vst v63  }
0x9e: {  	_ =	swait.ge [sflag:s12], $0x5000  }
0x9f: {  	[sflag:s12] =	ssyncset.done $0x0  }
0xa0: {  	[sflag:s12] =	ssyncadd.s32 $0xFFFFB000  }
0xa1: {  	_ =	sfence.sel $0x180000  }
0xa2: {  	[bflag:$0x0] =	sbarrier.arrive $0xFFFF  }
0xa3: {  	p0 =	sne.s32 s0, $0x0;
	_ =	strace $0x90000047  }
0xa4: {  	s0 =	sadd.s32 @!p0 $0x100000, s1;
	[bflag:$0x2] =	sbarrier.arrive $0xFFFF  }
0xa5: {  	[sflag:s0] =	ssyncadd.tile.s32 @!p0 $0x1;
	_ =	shalt  }
.Lfunc_end2:
_tile_overlayer_lowered:
.L_overlay_start_2:
0xa6: {  	(tag) =	ssettag $0x2  }
0xa7: {  	s0 =	rddreg [dreg:$0x0];
	s2 =	stileid.u32  }
0xa8: {  	s1 =	rddreg [dreg:$0x1];
	p0 =	sne.s32 s2, $0x0  }
0xa9: {  	s3 =	rddreg [dreg:$0x2];
	[bflag:$0x3] =	sbarrier.arrive $0xFFFF;
	s2 =	simm.s32 @!p0 $0x1C05  }
0xaa: {  	[timem:s3], [sflag:s2] =	dma.local @!p0 [hbm:s0], s1  }
0xab: {  	s0 =	simm.s32 @!p0 $0x5  }
0xac: {  	_ =	swait.ge @!p0 [sflag:s0], s1  }
0xad: {  	s1 =	ssub.s32 @!p0 $0x0, s1;
	[sflag:s0] =	ssyncset.done @!p0 $0x0  }
0xae: {  	[sflag:s0] =	ssyncadd.s32 @!p0 s1  }
0xaf: {  	[bflag:$0x3] =	sbarrier.arrive $0xFFFF  }
0xb0: {  	_ =	shalt  }

</sc_bundles>
